<compile_context>
chip_gen: v7x
topology: tpu7x:2x2x1
jax: 0.10.2.dev20260603
libtpu: 0.0.44.dev20260713+nightly
codegen_flags: <defaults>
</compile_context>

<pallas_src>
import jax
import jax.numpy as jnp
from jax import lax
from jax.experimental import pallas as pl
from jax.experimental.pallas import tpu as pltpu
from jax.experimental.pallas import tpu_sc as plsc

NC = 2
NS = 16
LANES = 16
NW = NC * NS
DBLK = 8


def _body(embs_hbm, seq_hbm, pos_hbm, out_hbm, pos_v, seq_v, buf, in_sem, out_sem):
    seq_len, d_model, batch = embs_hbm.shape
    units = seq_len * (d_model // DBLK)
    per_w = units // NW
    bgroups = batch // LANES
    wid = lax.axis_index("s") * NC + lax.axis_index("c")

    pltpu.sync_copy(pos_hbm.at[:, pl.ds(0, pos_v.shape[1])], pos_v)
    pltpu.sync_copy(seq_hbm, seq_v)

    def unit_idx(t):
        u = wid + t * NW
        return u // DBLK, (u % DBLK) * DBLK

    def in_copy(t, b):
        j, d0 = unit_idx(t)
        return pltpu.make_async_copy(
            embs_hbm.at[j, pl.ds(d0, DBLK)], buf.at[b], in_sem.at[b]
        )

    def out_copy(t, b):
        j, d0 = unit_idx(t)
        return pltpu.make_async_copy(
            buf.at[b], out_hbm.at[j, pl.ds(d0, DBLK)], out_sem.at[b]
        )

    in_copy(0, 0).start()

    nsteps = per_w // 3 + 1

    def step(s, carry):
        for phase in range(3):
            t = s * 3 + phase
            b = phase
            nb = (phase + 1) % 3

            def slab_work():
                j, d0 = unit_idx(t)

                def start_next():
                    def retire_prev():
                        out_copy(t - 2, nb).wait()

                    if phase in (0, 1):
                        pl.when(s >= 1)(retire_prev)
                    else:
                        retire_prev()
                    in_copy(t + 1, nb).start()

                if phase == 0:
                    start_next()
                else:
                    pl.when(s < per_w // 3)(start_next)

                jp1 = j + 1
                lane = jp1 % LANES
                lbase = pl.multiple_of(jp1 - lane, LANES)
                lane_vec = jnp.broadcast_to(lane, (LANES,))
                dnums = lax.GatherDimensionNumbers(
                    offset_dims=(), collapsed_slice_dims=(0,), start_index_map=(0,)
                )
                p_splat = []
                for dd in range(DBLK):
                    row16 = pos_v[d0 + dd, pl.ds(lbase, LANES)]
                    p_splat.append(
                        lax.gather(
                            row16,
                            lane_vec[:, None],
                            dnums,
                            slice_sizes=(1,),
                            mode=lax.GatherScatterMode.PROMISE_IN_BOUNDS,
                        )
                    )

                in_copy(t, b).wait()

                @plsc.parallel_loop(0, bgroups, unroll=4)
                def bg_body(bg, _b=b, _j=j, _p=p_splat):
                    sl = pl.ds(bg * LANES, LANES)
                    m = seq_v[sl] > _j
                    zero = jnp.zeros((LANES,), jnp.float32)
                    for dd in range(DBLK):
                        plsc.addupdate(buf.at[_b, dd, sl], jnp.where(m, _p[dd], zero))

                out_copy(t, b).start()

            if phase == 2:
                pl.when(s < per_w // 3)(slab_work)
            else:
                slab_work()
        return carry

    lax.fori_loop(0, nsteps, step, 0)

    out_copy(per_w - 3, (per_w - 3) % 3).wait()
    out_copy(per_w - 2, (per_w - 2) % 3).wait()
    out_copy(per_w - 1, (per_w - 1) % 3).wait()


@jax.jit
def kernel(embs, seq_lengths, pos_table):
    batch, seq_len, d_model = embs.shape
    embs_t = jnp.transpose(embs, (1, 2, 0))
    pos_t = jnp.transpose(pos_table, (1, 0))
    mesh = plsc.VectorSubcoreMesh(
        core_axis_name="c", subcore_axis_name="s", num_cores=NC, num_subcores=NS
    )
    pos_cols = seq_len + 1
    pos_cols += (-pos_cols) % 128
    run = pl.kernel(
        _body,
        out_type=jax.ShapeDtypeStruct((seq_len, d_model, batch), embs.dtype),
        mesh=mesh,
        compiler_params=pltpu.CompilerParams(use_tc_tiling_on_sc=True),
        scratch_types=[
            pltpu.VMEM((d_model, pos_cols), jnp.float32),
            pltpu.VMEM((batch,), jnp.int32),
            pltpu.VMEM((3, DBLK, batch), jnp.float32),
            pltpu.SemaphoreType.DMA((3,)),
            pltpu.SemaphoreType.DMA((3,)),
        ],
    )
    out_t = run(embs_t, seq_lengths.astype(jnp.int32), pos_t)
    return jnp.transpose(out_t, (2, 0, 1))

# --- scband reference (transcript-rebuilt; emitter-appended) ---
"""Pipeline reference for scband-positional-embedding-12171937317494 (READ-ONLY COPY).

The authoritative reference and input builder live on the scoring server;
editing this copy changes nothing except your own understanding.
"""

import jax, jax.numpy as jnp
import numpy as np

D_MODEL = 64
MAX_LEN = 2047
B = 4096
L = 200


def setup_inputs(seed: int = 0) -> dict:
    key = jax.random.key(seed)
    k1, k2, k3 = jax.random.split(key, 3)
    embs = jax.random.normal(k1, (B, L, D_MODEL), dtype=jnp.float32)
    seq_lengths = jax.random.randint(k2, (B,), 0, 200)
    pos_table = jax.random.uniform(k3, (MAX_LEN + 1, D_MODEL), minval=-0.01, maxval=0.01, dtype=jnp.float32)
    pos_table = pos_table.at[0].set(0.0)  # padding_idx=0 row zeroed (torch Embedding padding_idx)
    return {"embs": embs, "seq_lengths": seq_lengths, "pos_table": pos_table}


def reference(embs, seq_lengths, pos_table):
    # Faithful translation of PositionalEmbedding.forward:
    #   position_ids[i, :] = [1, 2, ..., L]; position_ids[i, seq_lengths[i]:] = 0 (pad)
    Lc = embs.shape[1]
    positions = jnp.arange(1, Lc + 1, dtype=seq_lengths.dtype)[None, :]
    valid = jnp.arange(Lc, dtype=seq_lengths.dtype)[None, :] < seq_lengths[:, None]
    position_ids = jnp.where(valid, positions, 0)
    position_embeddings = jnp.take(pos_table, position_ids, axis=0)
    return embs + position_embeddings

if __name__ == "__main__":
    import jax
    _d = setup_inputs()
    print(jax.jit(kernel)(*tuple(_d.values())))

</pallas_src>

<mosaic_0001>
#map = affine_map<(d0, d1) -> (0, 0, 0)>
#map1 = affine_map<(d0, d1) -> (0)>
#map2 = affine_map<(d0, d1) -> (0, 0)>
module attributes {stable_mosaic.version = 14 : i64} {
  func.func @_body(%arg0: i32, %arg1: i32, %arg2: memref<200x64x4096xf32, #tpu.memory_space<hbm>>, %arg3: memref<4096xi32, #tpu.memory_space<hbm>>, %arg4: memref<64x2048xf32, #tpu.memory_space<hbm>>, %arg5: memref<200x64x4096xf32, #tpu.memory_space<hbm>>, %arg6: memref<64x256xf32, #tpu.memory_space<vmem>>, %arg7: memref<4096xi32, #tpu.memory_space<vmem>>, %arg8: memref<3x8x4096xf32, #tpu.memory_space<vmem>>, %arg9: memref<3x!tpu.dma_semaphore, #tpu.memory_space<semaphore_mem>>, %arg10: memref<3x!tpu.dma_semaphore, #tpu.memory_space<semaphore_mem>>) attributes {dimension_semantics = [#tpu.dimension_semantics<core_parallel>, #tpu.dimension_semantics<subcore_parallel>], iteration_bounds = array<i64: 2, 16>, scalar_prefetch = 0 : i64, scratch_operands = 5 : i64, tpu.core_type = #tpu.core_type<sc_vector_subcore>, window_params = [{transform_indices = #map}, {transform_indices = #map1}, {transform_indices = #map2}, {transform_indices = #map}]} {
    %mul3A = arith.constant 2 : i32
    %mul3A_0 = arith.muli %arg1, %mul3A : i32
    %add3A = arith.addi %mul3A_0, %arg0 : i32
    "tpu.region"() ({
      %run_scoped3A = tpu.sem_alloc : memref<!tpu.dma_semaphore, #tpu.memory_space<semaphore_mem>>
      %dma_start3A_242 = arith.constant 0 : i32
      %dma_start3A_243 = arith.constant 0 : i32
      %dma_start3A_244 = tpu.memref_slice %arg4[%dma_start3A_242, %dma_start3A_243] : memref<64x2048xf32, #tpu.memory_space<hbm>> -> memref<64x256xf32, #tpu.memory_space<hbm>>
      %dma_start3A_245 = arith.constant 0 : i32
      %dma_start3A_246 = arith.constant 0 : i32
      %dma_start3A_247 = tpu.memref_slice %arg4[%dma_start3A_245, %dma_start3A_246] : memref<64x2048xf32, #tpu.memory_space<hbm>> -> memref<64x256xf32, #tpu.memory_space<hbm>>
      tpu.enqueue_dma source(%dma_start3A_247 : memref<64x256xf32, #tpu.memory_space<hbm>>) target(%arg6 : memref<64x256xf32, #tpu.memory_space<vmem>>) target_semaphore(%run_scoped3A : memref<!tpu.dma_semaphore, #tpu.memory_space<semaphore_mem>>)
      %dma_wait3A_248 = arith.constant 0 : i32
      %dma_wait3A_249 = arith.constant 0 : i32
      %dma_wait3A_250 = tpu.memref_slice %arg4[%dma_wait3A_248, %dma_wait3A_249] : memref<64x2048xf32, #tpu.memory_space<hbm>> -> memref<64x256xf32, #tpu.memory_space<hbm>>
      %dma_wait3A_251 = arith.constant 0 : i32
      %dma_wait3A_252 = arith.constant 0 : i32
      %dma_wait3A_253 = tpu.memref_slice %arg4[%dma_wait3A_251, %dma_wait3A_252] : memref<64x2048xf32, #tpu.memory_space<hbm>> -> memref<64x256xf32, #tpu.memory_space<hbm>>
      tpu.wait_dma2 semaphore(%run_scoped3A : memref<!tpu.dma_semaphore, #tpu.memory_space<semaphore_mem>>) src(%dma_wait3A_253 : memref<64x256xf32, #tpu.memory_space<hbm>>) dst(%arg6 : memref<64x256xf32, #tpu.memory_space<vmem>>)
      tpu.yield
    }) : () -> ()
    "tpu.region"() ({
      %run_scoped3A = tpu.sem_alloc : memref<!tpu.dma_semaphore, #tpu.memory_space<semaphore_mem>>
      tpu.enqueue_dma source(%arg3 : memref<4096xi32, #tpu.memory_space<hbm>>) target(%arg7 : memref<4096xi32, #tpu.memory_space<vmem>>) target_semaphore(%run_scoped3A : memref<!tpu.dma_semaphore, #tpu.memory_space<semaphore_mem>>)
      tpu.wait_dma2 semaphore(%run_scoped3A : memref<!tpu.dma_semaphore, #tpu.memory_space<semaphore_mem>>) src(%arg3 : memref<4096xi32, #tpu.memory_space<hbm>>) dst(%arg7 : memref<4096xi32, #tpu.memory_space<vmem>>)
      tpu.yield
    }) : () -> ()
    %add3A_1 = arith.constant 0 : i32
    %add3A_2 = arith.addi %add3A, %add3A_1 : i32
    %jit3A = arith.constant 8 : i32
    %div3A = arith.divsi %add3A_2, %jit3A : i32
    %sign3A = arith.constant 0 : i32
    %sign3A_3 = arith.cmpi sgt, %add3A_2, %sign3A : i32
    %sign3A_4 = arith.extui %sign3A_3 : i1 to i32
    %sign3A_5 = arith.constant 0 : i32
    %sign3A_6 = arith.cmpi slt, %add3A_2, %sign3A_5 : i32
    %sign3A_7 = arith.extui %sign3A_6 : i1 to i32
    %sign3A_8 = arith.subi %sign3A_4, %sign3A_7 : i32
    %sign3A_9 = arith.constant 0 : i32
    %sign3A_10 = arith.cmpi sgt, %jit3A, %sign3A_9 : i32
    %sign3A_11 = arith.extui %sign3A_10 : i1 to i32
    %sign3A_12 = arith.constant 0 : i32
    %sign3A_13 = arith.cmpi slt, %jit3A, %sign3A_12 : i32
    %sign3A_14 = arith.extui %sign3A_13 : i1 to i32
    %sign3A_15 = arith.subi %sign3A_11, %sign3A_14 : i32
    %ne3A = arith.cmpi ne, %sign3A_8, %sign3A_15 : i32
    %rem3A = arith.remsi %add3A_2, %jit3A : i32
    %ne3A_16 = arith.constant 0 : i32
    %ne3A_17 = arith.cmpi ne, %rem3A, %ne3A_16 : i32
    %and3A = arith.andi %ne3A, %ne3A_17 : i1
    %sub3A = arith.constant 1 : i32
    %sub3A_18 = arith.subi %div3A, %sub3A : i32
    %select_n3A = arith.select %and3A, %sub3A_18, %div3A : i32
    %jit3A_19 = arith.constant 8 : i32
    %eq3A = arith.constant 0 : i32
    %eq3A_20 = arith.cmpi eq, %jit3A_19, %eq3A : i32
    %jit3A_21 = arith.constant 1 : i32
    %select_n3A_22 = arith.select %eq3A_20, %jit3A_21, %jit3A_19 : i32
    %rem3A_23 = arith.remsi %add3A_2, %select_n3A_22 : i32
    %ne3A_24 = arith.constant 0 : i32
    %ne3A_25 = arith.cmpi ne, %rem3A_23, %ne3A_24 : i32
    %lt3A = arith.constant 0 : i32
    %lt3A_26 = arith.cmpi slt, %rem3A_23, %lt3A : i32
    %lt3A_27 = arith.constant 0 : i32
    %lt3A_28 = arith.cmpi slt, %select_n3A_22, %lt3A_27 : i32
    %ne3A_29 = arith.xori %lt3A_26, %lt3A_28 : i1
    %and3A_30 = arith.andi %ne3A_29, %ne3A_25 : i1
    %add3A_31 = arith.addi %rem3A_23, %select_n3A_22 : i32
    %select_n3A_32 = arith.select %and3A_30, %add3A_31, %rem3A_23 : i32
    %mul3A_33 = arith.constant 8 : i32
    %mul3A_34 = arith.muli %select_n3A_32, %mul3A_33 : i32
    %dma_start3A = arith.constant 0 : i32
    %dma_start3A_35 = arith.constant 0 : i32
    %dma_start3A_36 = arith.constant 0 : i32
    %dma_start3A_37 = arith.constant 0 : i32
    %dma_start3A_38 = tpu.memref_slice %arg8[%dma_start3A, %dma_start3A_36, %dma_start3A_37] : memref<3x8x4096xf32, #tpu.memory_space<vmem>> -> memref<1x8x4096xf32, #tpu.memory_space<vmem>>
    %dma_start3A_39 = tpu.memref_squeeze %dma_start3A_38 : memref<1x8x4096xf32, #tpu.memory_space<vmem>> -> memref<8x4096xf32, #tpu.memory_space<vmem>>
    %dma_start3A_40 = arith.constant 0 : i32
    %dma_start3A_41 = tpu.memref_slice %arg2[%select_n3A, %mul3A_34, %dma_start3A_40] : memref<200x64x4096xf32, #tpu.memory_space<hbm>> -> memref<1x8x4096xf32, #tpu.memory_space<hbm>>
    %dma_start3A_42 = tpu.memref_squeeze %dma_start3A_41 : memref<1x8x4096xf32, #tpu.memory_space<hbm>> -> memref<8x4096xf32, #tpu.memory_space<hbm>>
    %dma_start3A_43 = tpu.memref_slice %arg9[%dma_start3A_35] : memref<3x!tpu.dma_semaphore, #tpu.memory_space<semaphore_mem>> -> memref<1x!tpu.dma_semaphore, #tpu.memory_space<semaphore_mem>>
    %dma_start3A_44 = tpu.memref_squeeze %dma_start3A_43 : memref<1x!tpu.dma_semaphore, #tpu.memory_space<semaphore_mem>> -> memref<!tpu.dma_semaphore, #tpu.memory_space<semaphore_mem>>
    %dma_start3A_45 = arith.constant 0 : i32
    %dma_start3A_46 = arith.constant 0 : i32
    %dma_start3A_47 = tpu.memref_slice %arg8[%dma_start3A, %dma_start3A_45, %dma_start3A_46] : memref<3x8x4096xf32, #tpu.memory_space<vmem>> -> memref<1x8x4096xf32, #tpu.memory_space<vmem>>
    %dma_start3A_48 = tpu.memref_squeeze %dma_start3A_47 : memref<1x8x4096xf32, #tpu.memory_space<vmem>> -> memref<8x4096xf32, #tpu.memory_space<vmem>>
    %dma_start3A_49 = arith.constant 0 : i32
    %dma_start3A_50 = tpu.memref_slice %arg2[%select_n3A, %mul3A_34, %dma_start3A_49] : memref<200x64x4096xf32, #tpu.memory_space<hbm>> -> memref<1x8x4096xf32, #tpu.memory_space<hbm>>
    %dma_start3A_51 = tpu.memref_squeeze %dma_start3A_50 : memref<1x8x4096xf32, #tpu.memory_space<hbm>> -> memref<8x4096xf32, #tpu.memory_space<hbm>>
    tpu.enqueue_dma source(%dma_start3A_51 : memref<8x4096xf32, #tpu.memory_space<hbm>>) target(%dma_start3A_48 : memref<8x4096xf32, #tpu.memory_space<vmem>>) target_semaphore(%dma_start3A_44 : memref<!tpu.dma_semaphore, #tpu.memory_space<semaphore_mem>>)
    %scan3A = arith.constant 0 : i32
    %scan3A_52 = arith.constant 0 : i32
    %scan3A_53 = arith.constant 17 : i32
    %scan3A_54 = arith.addi %scan3A_52, %scan3A_53 : i32
    %scan3A_55 = arith.constant 1 : i32
    scf.for %scan3A_242 = %scan3A_52 to %scan3A_54 step %scan3A_55  : i32 {
      %mul3A_243 = arith.constant 3 : i32
      %mul3A_244 = arith.muli %scan3A_242, %mul3A_243 : i32
      %add3A_245 = arith.constant 0 : i32
      %add3A_246 = arith.addi %mul3A_244, %add3A_245 : i32
      %mul3A_247 = arith.constant 32 : i32
      %mul3A_248 = arith.muli %add3A_246, %mul3A_247 : i32
      %add3A_249 = arith.addi %add3A, %mul3A_248 : i32
      %jit3A_250 = arith.constant 8 : i32
      %div3A_251 = arith.divsi %add3A_249, %jit3A_250 : i32
      %sign3A_252 = arith.constant 0 : i32
      %sign3A_253 = arith.cmpi sgt, %add3A_249, %sign3A_252 : i32
      %sign3A_254 = arith.extui %sign3A_253 : i1 to i32
      %sign3A_255 = arith.constant 0 : i32
      %sign3A_256 = arith.cmpi slt, %add3A_249, %sign3A_255 : i32
      %sign3A_257 = arith.extui %sign3A_256 : i1 to i32
      %sign3A_258 = arith.subi %sign3A_254, %sign3A_257 : i32
      %sign3A_259 = arith.constant 0 : i32
      %sign3A_260 = arith.cmpi sgt, %jit3A_250, %sign3A_259 : i32
      %sign3A_261 = arith.extui %sign3A_260 : i1 to i32
      %sign3A_262 = arith.constant 0 : i32
      %sign3A_263 = arith.cmpi slt, %jit3A_250, %sign3A_262 : i32
      %sign3A_264 = arith.extui %sign3A_263 : i1 to i32
      %sign3A_265 = arith.subi %sign3A_261, %sign3A_264 : i32
      %ne3A_266 = arith.cmpi ne, %sign3A_258, %sign3A_265 : i32
      %rem3A_267 = arith.remsi %add3A_249, %jit3A_250 : i32
      %ne3A_268 = arith.constant 0 : i32
      %ne3A_269 = arith.cmpi ne, %rem3A_267, %ne3A_268 : i32
      %and3A_270 = arith.andi %ne3A_266, %ne3A_269 : i1
      %sub3A_271 = arith.constant 1 : i32
      %sub3A_272 = arith.subi %div3A_251, %sub3A_271 : i32
      %select_n3A_273 = arith.select %and3A_270, %sub3A_272, %div3A_251 : i32
      %jit3A_274 = arith.constant 8 : i32
      %eq3A_275 = arith.constant 0 : i32
      %eq3A_276 = arith.cmpi eq, %jit3A_274, %eq3A_275 : i32
      %jit3A_277 = arith.constant 1 : i32
      %select_n3A_278 = arith.select %eq3A_276, %jit3A_277, %jit3A_274 : i32
      %rem3A_279 = arith.remsi %add3A_249, %select_n3A_278 : i32
      %ne3A_280 = arith.constant 0 : i32
      %ne3A_281 = arith.cmpi ne, %rem3A_279, %ne3A_280 : i32
      %lt3A_282 = arith.constant 0 : i32
      %lt3A_283 = arith.cmpi slt, %rem3A_279, %lt3A_282 : i32
      %lt3A_284 = arith.constant 0 : i32
      %lt3A_285 = arith.cmpi slt, %select_n3A_278, %lt3A_284 : i32
      %ne3A_286 = arith.xori %lt3A_283, %lt3A_285 : i1
      %and3A_287 = arith.andi %ne3A_286, %ne3A_281 : i1
      %add3A_288 = arith.addi %rem3A_279, %select_n3A_278 : i32
      %select_n3A_289 = arith.select %and3A_287, %add3A_288, %rem3A_279 : i32
      %mul3A_290 = arith.constant 8 : i32
      %mul3A_291 = arith.muli %select_n3A_289, %mul3A_290 : i32
      %ge3A = arith.constant 1 : i32
      %ge3A_292 = arith.cmpi sge, %scan3A_242, %ge3A : i32
      %convert_element_type3A = arith.extui %ge3A_292 : i1 to i32
      %cond3A = arith.constant 0 : i32
      %cond3A_293 = arith.cmpi ne, %convert_element_type3A, %cond3A : i32
      scf.if %cond3A_293 {
        %sub3A_861 = arith.constant 2 : i32
        %sub3A_862 = arith.subi %add3A_246, %sub3A_861 : i32
        %mul3A_863 = arith.constant 32 : i32
        %mul3A_864 = arith.muli %sub3A_862, %mul3A_863 : i32
        %add3A_865 = arith.addi %add3A, %mul3A_864 : i32
        %jit3A_866 = arith.constant 8 : i32
        %div3A_867 = arith.divsi %add3A_865, %jit3A_866 : i32
        %sign3A_868 = arith.constant 0 : i32
        %sign3A_869 = arith.cmpi sgt, %add3A_865, %sign3A_868 : i32
        %sign3A_870 = arith.extui %sign3A_869 : i1 to i32
        %sign3A_871 = arith.constant 0 : i32
        %sign3A_872 = arith.cmpi slt, %add3A_865, %sign3A_871 : i32
        %sign3A_873 = arith.extui %sign3A_872 : i1 to i32
        %sign3A_874 = arith.subi %sign3A_870, %sign3A_873 : i32
        %sign3A_875 = arith.constant 0 : i32
        %sign3A_876 = arith.cmpi sgt, %jit3A_866, %sign3A_875 : i32
        %sign3A_877 = arith.extui %sign3A_876 : i1 to i32
        %sign3A_878 = arith.constant 0 : i32
        %sign3A_879 = arith.cmpi slt, %jit3A_866, %sign3A_878 : i32
        %sign3A_880 = arith.extui %sign3A_879 : i1 to i32
        %sign3A_881 = arith.subi %sign3A_877, %sign3A_880 : i32
        %ne3A_882 = arith.cmpi ne, %sign3A_874, %sign3A_881 : i32
        %rem3A_883 = arith.remsi %add3A_865, %jit3A_866 : i32
        %ne3A_884 = arith.constant 0 : i32
        %ne3A_885 = arith.cmpi ne, %rem3A_883, %ne3A_884 : i32
        %and3A_886 = arith.andi %ne3A_882, %ne3A_885 : i1
        %sub3A_887 = arith.constant 1 : i32
        %sub3A_888 = arith.subi %div3A_867, %sub3A_887 : i32
        %select_n3A_889 = arith.select %and3A_886, %sub3A_888, %div3A_867 : i32
        %jit3A_890 = arith.constant 8 : i32
        %eq3A_891 = arith.constant 0 : i32
        %eq3A_892 = arith.cmpi eq, %jit3A_890, %eq3A_891 : i32
        %jit3A_893 = arith.constant 1 : i32
        %select_n3A_894 = arith.select %eq3A_892, %jit3A_893, %jit3A_890 : i32
        %rem3A_895 = arith.remsi %add3A_865, %select_n3A_894 : i32
        %ne3A_896 = arith.constant 0 : i32
        %ne3A_897 = arith.cmpi ne, %rem3A_895, %ne3A_896 : i32
        %lt3A_898 = arith.constant 0 : i32
        %lt3A_899 = arith.cmpi slt, %rem3A_895, %lt3A_898 : i32
        %lt3A_900 = arith.constant 0 : i32
        %lt3A_901 = arith.cmpi slt, %select_n3A_894, %lt3A_900 : i32
        %ne3A_902 = arith.xori %lt3A_899, %lt3A_901 : i1
        %and3A_903 = arith.andi %ne3A_902, %ne3A_897 : i1
        %add3A_904 = arith.addi %rem3A_895, %select_n3A_894 : i32
        %select_n3A_905 = arith.select %and3A_903, %add3A_904, %rem3A_895 : i32
        %mul3A_906 = arith.constant 8 : i32
        %mul3A_907 = arith.muli %select_n3A_905, %mul3A_906 : i32
        %dma_wait3A_908 = arith.constant 1 : i32
        %dma_wait3A_909 = arith.constant 1 : i32
        %dma_wait3A_910 = arith.constant 0 : i32
        %dma_wait3A_911 = arith.constant 0 : i32
        %dma_wait3A_912 = tpu.memref_slice %arg8[%dma_wait3A_908, %dma_wait3A_910, %dma_wait3A_911] : memref<3x8x4096xf32, #tpu.memory_space<vmem>> -> memref<1x8x4096xf32, #tpu.memory_space<vmem>>
        %dma_wait3A_913 = tpu.memref_squeeze %dma_wait3A_912 : memref<1x8x4096xf32, #tpu.memory_space<vmem>> -> memref<8x4096xf32, #tpu.memory_space<vmem>>
        %dma_wait3A_914 = arith.constant 0 : i32
        %dma_wait3A_915 = tpu.memref_slice %arg5[%select_n3A_889, %mul3A_907, %dma_wait3A_914] : memref<200x64x4096xf32, #tpu.memory_space<hbm>> -> memref<1x8x4096xf32, #tpu.memory_space<hbm>>
        %dma_wait3A_916 = tpu.memref_squeeze %dma_wait3A_915 : memref<1x8x4096xf32, #tpu.memory_space<hbm>> -> memref<8x4096xf32, #tpu.memory_space<hbm>>
        %dma_wait3A_917 = tpu.memref_slice %arg10[%dma_wait3A_909] : memref<3x!tpu.dma_semaphore, #tpu.memory_space<semaphore_mem>> -> memref<1x!tpu.dma_semaphore, #tpu.memory_space<semaphore_mem>>
        %dma_wait3A_918 = tpu.memref_squeeze %dma_wait3A_917 : memref<1x!tpu.dma_semaphore, #tpu.memory_space<semaphore_mem>> -> memref<!tpu.dma_semaphore, #tpu.memory_space<semaphore_mem>>
        %dma_wait3A_919 = arith.constant 0 : i32
        %dma_wait3A_920 = tpu.memref_slice %arg5[%select_n3A_889, %mul3A_907, %dma_wait3A_919] : memref<200x64x4096xf32, #tpu.memory_space<hbm>> -> memref<1x8x4096xf32, #tpu.memory_space<hbm>>
        %dma_wait3A_921 = tpu.memref_squeeze %dma_wait3A_920 : memref<1x8x4096xf32, #tpu.memory_space<hbm>> -> memref<8x4096xf32, #tpu.memory_space<hbm>>
        %dma_wait3A_922 = arith.constant 0 : i32
        %dma_wait3A_923 = arith.constant 0 : i32
        %dma_wait3A_924 = tpu.memref_slice %arg8[%dma_wait3A_908, %dma_wait3A_922, %dma_wait3A_923] : memref<3x8x4096xf32, #tpu.memory_space<vmem>> -> memref<1x8x4096xf32, #tpu.memory_space<vmem>>
        %dma_wait3A_925 = tpu.memref_squeeze %dma_wait3A_924 : memref<1x8x4096xf32, #tpu.memory_space<vmem>> -> memref<8x4096xf32, #tpu.memory_space<vmem>>
        tpu.wait_dma2 semaphore(%dma_wait3A_918 : memref<!tpu.dma_semaphore, #tpu.memory_space<semaphore_mem>>) src(%dma_wait3A_925 : memref<8x4096xf32, #tpu.memory_space<vmem>>) dst(%dma_wait3A_921 : memref<8x4096xf32, #tpu.memory_space<hbm>>)
      } else {
      }
      %add3A_294 = arith.constant 1 : i32
      %add3A_295 = arith.addi %add3A_246, %add3A_294 : i32
      %mul3A_296 = arith.constant 32 : i32
      %mul3A_297 = arith.muli %add3A_295, %mul3A_296 : i32
      %add3A_298 = arith.addi %add3A, %mul3A_297 : i32
      %jit3A_299 = arith.constant 8 : i32
      %div3A_300 = arith.divsi %add3A_298, %jit3A_299 : i32
      %sign3A_301 = arith.constant 0 : i32
      %sign3A_302 = arith.cmpi sgt, %add3A_298, %sign3A_301 : i32
      %sign3A_303 = arith.extui %sign3A_302 : i1 to i32
      %sign3A_304 = arith.constant 0 : i32
      %sign3A_305 = arith.cmpi slt, %add3A_298, %sign3A_304 : i32
      %sign3A_306 = arith.extui %sign3A_305 : i1 to i32
      %sign3A_307 = arith.subi %sign3A_303, %sign3A_306 : i32
      %sign3A_308 = arith.constant 0 : i32
      %sign3A_309 = arith.cmpi sgt, %jit3A_299, %sign3A_308 : i32
      %sign3A_310 = arith.extui %sign3A_309 : i1 to i32
      %sign3A_311 = arith.constant 0 : i32
      %sign3A_312 = arith.cmpi slt, %jit3A_299, %sign3A_311 : i32
      %sign3A_313 = arith.extui %sign3A_312 : i1 to i32
      %sign3A_314 = arith.subi %sign3A_310, %sign3A_313 : i32
      %ne3A_315 = arith.cmpi ne, %sign3A_307, %sign3A_314 : i32
      %rem3A_316 = arith.remsi %add3A_298, %jit3A_299 : i32
      %ne3A_317 = arith.constant 0 : i32
      %ne3A_318 = arith.cmpi ne, %rem3A_316, %ne3A_317 : i32
      %and3A_319 = arith.andi %ne3A_315, %ne3A_318 : i1
      %sub3A_320 = arith.constant 1 : i32
      %sub3A_321 = arith.subi %div3A_300, %sub3A_320 : i32
      %select_n3A_322 = arith.select %and3A_319, %sub3A_321, %div3A_300 : i32
      %jit3A_323 = arith.constant 8 : i32
      %eq3A_324 = arith.constant 0 : i32
      %eq3A_325 = arith.cmpi eq, %jit3A_323, %eq3A_324 : i32
      %jit3A_326 = arith.constant 1 : i32
      %select_n3A_327 = arith.select %eq3A_325, %jit3A_326, %jit3A_323 : i32
      %rem3A_328 = arith.remsi %add3A_298, %select_n3A_327 : i32
      %ne3A_329 = arith.constant 0 : i32
      %ne3A_330 = arith.cmpi ne, %rem3A_328, %ne3A_329 : i32
      %lt3A_331 = arith.constant 0 : i32
      %lt3A_332 = arith.cmpi slt, %rem3A_328, %lt3A_331 : i32
      %lt3A_333 = arith.constant 0 : i32
      %lt3A_334 = arith.cmpi slt, %select_n3A_327, %lt3A_333 : i32
      %ne3A_335 = arith.xori %lt3A_332, %lt3A_334 : i1
      %and3A_336 = arith.andi %ne3A_335, %ne3A_330 : i1
      %add3A_337 = arith.addi %rem3A_328, %select_n3A_327 : i32
      %select_n3A_338 = arith.select %and3A_336, %add3A_337, %rem3A_328 : i32
      %mul3A_339 = arith.constant 8 : i32
      %mul3A_340 = arith.muli %select_n3A_338, %mul3A_339 : i32
      %dma_start3A_341 = arith.constant 1 : i32
      %dma_start3A_342 = arith.constant 1 : i32
      %dma_start3A_343 = arith.constant 0 : i32
      %dma_start3A_344 = arith.constant 0 : i32
      %dma_start3A_345 = tpu.memref_slice %arg8[%dma_start3A_341, %dma_start3A_343, %dma_start3A_344] : memref<3x8x4096xf32, #tpu.memory_space<vmem>> -> memref<1x8x4096xf32, #tpu.memory_space<vmem>>
      %dma_start3A_346 = tpu.memref_squeeze %dma_start3A_345 : memref<1x8x4096xf32, #tpu.memory_space<vmem>> -> memref<8x4096xf32, #tpu.memory_space<vmem>>
      %dma_start3A_347 = arith.constant 0 : i32
      %dma_start3A_348 = tpu.memref_slice %arg2[%select_n3A_322, %mul3A_340, %dma_start3A_347] : memref<200x64x4096xf32, #tpu.memory_space<hbm>> -> memref<1x8x4096xf32, #tpu.memory_space<hbm>>
      %dma_start3A_349 = tpu.memref_squeeze %dma_start3A_348 : memref<1x8x4096xf32, #tpu.memory_space<hbm>> -> memref<8x4096xf32, #tpu.memory_space<hbm>>
      %dma_start3A_350 = tpu.memref_slice %arg9[%dma_start3A_342] : memref<3x!tpu.dma_semaphore, #tpu.memory_space<semaphore_mem>> -> memref<1x!tpu.dma_semaphore, #tpu.memory_space<semaphore_mem>>
      %dma_start3A_351 = tpu.memref_squeeze %dma_start3A_350 : memref<1x!tpu.dma_semaphore, #tpu.memory_space<semaphore_mem>> -> memref<!tpu.dma_semaphore, #tpu.memory_space<semaphore_mem>>
      %dma_start3A_352 = arith.constant 0 : i32
      %dma_start3A_353 = arith.constant 0 : i32
      %dma_start3A_354 = tpu.memref_slice %arg8[%dma_start3A_341, %dma_start3A_352, %dma_start3A_353] : memref<3x8x4096xf32, #tpu.memory_space<vmem>> -> memref<1x8x4096xf32, #tpu.memory_space<vmem>>
      %dma_start3A_355 = tpu.memref_squeeze %dma_start3A_354 : memref<1x8x4096xf32, #tpu.memory_space<vmem>> -> memref<8x4096xf32, #tpu.memory_space<vmem>>
      %dma_start3A_356 = arith.constant 0 : i32
      %dma_start3A_357 = tpu.memref_slice %arg2[%select_n3A_322, %mul3A_340, %dma_start3A_356] : memref<200x64x4096xf32, #tpu.memory_space<hbm>> -> memref<1x8x4096xf32, #tpu.memory_space<hbm>>
      %dma_start3A_358 = tpu.memref_squeeze %dma_start3A_357 : memref<1x8x4096xf32, #tpu.memory_space<hbm>> -> memref<8x4096xf32, #tpu.memory_space<hbm>>
      tpu.enqueue_dma source(%dma_start3A_358 : memref<8x4096xf32, #tpu.memory_space<hbm>>) target(%dma_start3A_355 : memref<8x4096xf32, #tpu.memory_space<vmem>>) target_semaphore(%dma_start3A_351 : memref<!tpu.dma_semaphore, #tpu.memory_space<semaphore_mem>>)
      %add3A_359 = arith.constant 1 : i32
      %add3A_360 = arith.addi %select_n3A_273, %add3A_359 : i32
      %jit3A_361 = arith.constant 16 : i32
      %eq3A_362 = arith.constant 0 : i32
      %eq3A_363 = arith.cmpi eq, %jit3A_361, %eq3A_362 : i32
      %jit3A_364 = arith.constant 1 : i32
      %select_n3A_365 = arith.select %eq3A_363, %jit3A_364, %jit3A_361 : i32
      %rem3A_366 = arith.remsi %add3A_360, %select_n3A_365 : i32
      %ne3A_367 = arith.constant 0 : i32
      %ne3A_368 = arith.cmpi ne, %rem3A_366, %ne3A_367 : i32
      %lt3A_369 = arith.constant 0 : i32
      %lt3A_370 = arith.cmpi slt, %rem3A_366, %lt3A_369 : i32
      %lt3A_371 = arith.constant 0 : i32
      %lt3A_372 = arith.cmpi slt, %select_n3A_365, %lt3A_371 : i32
      %ne3A_373 = arith.xori %lt3A_370, %lt3A_372 : i1
      %and3A_374 = arith.andi %ne3A_373, %ne3A_368 : i1
      %add3A_375 = arith.addi %rem3A_366, %select_n3A_365 : i32
      %select_n3A_376 = arith.select %and3A_374, %add3A_375, %rem3A_366 : i32
      %sub3A_377 = arith.subi %add3A_360, %select_n3A_376 : i32
      %multiple_of3A = tpu.assume_multiple %sub3A_377, 16 : i32
      %broadcast_in_dim3A = vector.broadcast %select_n3A_376 : i32 to vector<16xi32>
      %add3A_378 = arith.constant 0 : i32
      %add3A_379 = arith.addi %mul3A_291, %add3A_378 : i32
      %get3A = arith.index_cast %add3A_379 : i32 to index
      %get3A_380 = arith.index_cast %multiple_of3A : i32 to index
      %get3A_381 = tpu.vector_load %arg6[%get3A, %get3A_380] {strides = array<i32>} : memref<64x256xf32, #tpu.memory_space<vmem>>, vector<1x16xf32>,
      %get3A_382 = vector.shape_cast %get3A_381 : vector<1x16xf32> to vector<16xf32>
      %broadcast_in_dim3A_383 = vector.shape_cast %broadcast_in_dim3A : vector<16xi32> to vector<16x1xi32>
      %gather3A = vector.shape_cast %broadcast_in_dim3A_383 : vector<16x1xi32> to vector<16xi32>
      %gather3A_384 = tpu.dynamic_gather %get3A_382[%gather3A] in [0] : vector<16xf32>, vector<16xi32> -> vector<16xf32>
      %add3A_385 = arith.constant 1 : i32
      %add3A_386 = arith.addi %mul3A_291, %add3A_385 : i32
      %get3A_387 = arith.index_cast %add3A_386 : i32 to index
      %get3A_388 = arith.index_cast %multiple_of3A : i32 to index
      %get3A_389 = tpu.vector_load %arg6[%get3A_387, %get3A_388] {strides = array<i32>} : memref<64x256xf32, #tpu.memory_space<vmem>>, vector<1x16xf32>,
      %get3A_390 = vector.shape_cast %get3A_389 : vector<1x16xf32> to vector<16xf32>
      %broadcast_in_dim3A_391 = vector.shape_cast %broadcast_in_dim3A : vector<16xi32> to vector<16x1xi32>
      %gather3A_392 = vector.shape_cast %broadcast_in_dim3A_391 : vector<16x1xi32> to vector<16xi32>
      %gather3A_393 = tpu.dynamic_gather %get3A_390[%gather3A_392] in [0] : vector<16xf32>, vector<16xi32> -> vector<16xf32>
      %add3A_394 = arith.constant 2 : i32
      %add3A_395 = arith.addi %mul3A_291, %add3A_394 : i32
      %get3A_396 = arith.index_cast %add3A_395 : i32 to index
      %get3A_397 = arith.index_cast %multiple_of3A : i32 to index
      %get3A_398 = tpu.vector_load %arg6[%get3A_396, %get3A_397] {strides = array<i32>} : memref<64x256xf32, #tpu.memory_space<vmem>>, vector<1x16xf32>,
      %get3A_399 = vector.shape_cast %get3A_398 : vector<1x16xf32> to vector<16xf32>
      %broadcast_in_dim3A_400 = vector.shape_cast %broadcast_in_dim3A : vector<16xi32> to vector<16x1xi32>
      %gather3A_401 = vector.shape_cast %broadcast_in_dim3A_400 : vector<16x1xi32> to vector<16xi32>
      %gather3A_402 = tpu.dynamic_gather %get3A_399[%gather3A_401] in [0] : vector<16xf32>, vector<16xi32> -> vector<16xf32>
      %add3A_403 = arith.constant 3 : i32
      %add3A_404 = arith.addi %mul3A_291, %add3A_403 : i32
      %get3A_405 = arith.index_cast %add3A_404 : i32 to index
      %get3A_406 = arith.index_cast %multiple_of3A : i32 to index
      %get3A_407 = tpu.vector_load %arg6[%get3A_405, %get3A_406] {strides = array<i32>} : memref<64x256xf32, #tpu.memory_space<vmem>>, vector<1x16xf32>,
      %get3A_408 = vector.shape_cast %get3A_407 : vector<1x16xf32> to vector<16xf32>
      %broadcast_in_dim3A_409 = vector.shape_cast %broadcast_in_dim3A : vector<16xi32> to vector<16x1xi32>
      %gather3A_410 = vector.shape_cast %broadcast_in_dim3A_409 : vector<16x1xi32> to vector<16xi32>
      %gather3A_411 = tpu.dynamic_gather %get3A_408[%gather3A_410] in [0] : vector<16xf32>, vector<16xi32> -> vector<16xf32>
      %add3A_412 = arith.constant 4 : i32
      %add3A_413 = arith.addi %mul3A_291, %add3A_412 : i32
      %get3A_414 = arith.index_cast %add3A_413 : i32 to index
      %get3A_415 = arith.index_cast %multiple_of3A : i32 to index
      %get3A_416 = tpu.vector_load %arg6[%get3A_414, %get3A_415] {strides = array<i32>} : memref<64x256xf32, #tpu.memory_space<vmem>>, vector<1x16xf32>,
      %get3A_417 = vector.shape_cast %get3A_416 : vector<1x16xf32> to vector<16xf32>
      %broadcast_in_dim3A_418 = vector.shape_cast %broadcast_in_dim3A : vector<16xi32> to vector<16x1xi32>
      %gather3A_419 = vector.shape_cast %broadcast_in_dim3A_418 : vector<16x1xi32> to vector<16xi32>
      %gather3A_420 = tpu.dynamic_gather %get3A_417[%gather3A_419] in [0] : vector<16xf32>, vector<16xi32> -> vector<16xf32>
      %add3A_421 = arith.constant 5 : i32
      %add3A_422 = arith.addi %mul3A_291, %add3A_421 : i32
      %get3A_423 = arith.index_cast %add3A_422 : i32 to index
      %get3A_424 = arith.index_cast %multiple_of3A : i32 to index
      %get3A_425 = tpu.vector_load %arg6[%get3A_423, %get3A_424] {strides = array<i32>} : memref<64x256xf32, #tpu.memory_space<vmem>>, vector<1x16xf32>,
      %get3A_426 = vector.shape_cast %get3A_425 : vector<1x16xf32> to vector<16xf32>
      %broadcast_in_dim3A_427 = vector.shape_cast %broadcast_in_dim3A : vector<16xi32> to vector<16x1xi32>
      %gather3A_428 = vector.shape_cast %broadcast_in_dim3A_427 : vector<16x1xi32> to vector<16xi32>
      %gather3A_429 = tpu.dynamic_gather %get3A_426[%gather3A_428] in [0] : vector<16xf32>, vector<16xi32> -> vector<16xf32>
      %add3A_430 = arith.constant 6 : i32
      %add3A_431 = arith.addi %mul3A_291, %add3A_430 : i32
      %get3A_432 = arith.index_cast %add3A_431 : i32 to index
      %get3A_433 = arith.index_cast %multiple_of3A : i32 to index
      %get3A_434 = tpu.vector_load %arg6[%get3A_432, %get3A_433] {strides = array<i32>} : memref<64x256xf32, #tpu.memory_space<vmem>>, vector<1x16xf32>,
      %get3A_435 = vector.shape_cast %get3A_434 : vector<1x16xf32> to vector<16xf32>
      %broadcast_in_dim3A_436 = vector.shape_cast %broadcast_in_dim3A : vector<16xi32> to vector<16x1xi32>
      %gather3A_437 = vector.shape_cast %broadcast_in_dim3A_436 : vector<16x1xi32> to vector<16xi32>
      %gather3A_438 = tpu.dynamic_gather %get3A_435[%gather3A_437] in [0] : vector<16xf32>, vector<16xi32> -> vector<16xf32>
      %add3A_439 = arith.constant 7 : i32
      %add3A_440 = arith.addi %mul3A_291, %add3A_439 : i32
      %get3A_441 = arith.index_cast %add3A_440 : i32 to index
      %get3A_442 = arith.index_cast %multiple_of3A : i32 to index
      %get3A_443 = tpu.vector_load %arg6[%get3A_441, %get3A_442] {strides = array<i32>} : memref<64x256xf32, #tpu.memory_space<vmem>>, vector<1x16xf32>,
      %get3A_444 = vector.shape_cast %get3A_443 : vector<1x16xf32> to vector<16xf32>
      %broadcast_in_dim3A_445 = vector.shape_cast %broadcast_in_dim3A : vector<16xi32> to vector<16x1xi32>
      %gather3A_446 = vector.shape_cast %broadcast_in_dim3A_445 : vector<16x1xi32> to vector<16xi32>
      %gather3A_447 = tpu.dynamic_gather %get3A_444[%gather3A_446] in [0] : vector<16xf32>, vector<16xi32> -> vector<16xf32>
      %mul3A_448 = arith.constant 32 : i32
      %mul3A_449 = arith.muli %add3A_246, %mul3A_448 : i32
      %add3A_450 = arith.addi %add3A, %mul3A_449 : i32
      %jit3A_451 = arith.constant 8 : i32
      %div3A_452 = arith.divsi %add3A_450, %jit3A_451 : i32
      %sign3A_453 = arith.constant 0 : i32
      %sign3A_454 = arith.cmpi sgt, %add3A_450, %sign3A_453 : i32
      %sign3A_455 = arith.extui %sign3A_454 : i1 to i32
      %sign3A_456 = arith.constant 0 : i32
      %sign3A_457 = arith.cmpi slt, %add3A_450, %sign3A_456 : i32
      %sign3A_458 = arith.extui %sign3A_457 : i1 to i32
      %sign3A_459 = arith.subi %sign3A_455, %sign3A_458 : i32
      %sign3A_460 = arith.constant 0 : i32
      %sign3A_461 = arith.cmpi sgt, %jit3A_451, %sign3A_460 : i32
      %sign3A_462 = arith.extui %sign3A_461 : i1 to i32
      %sign3A_463 = arith.constant 0 : i32
      %sign3A_464 = arith.cmpi slt, %jit3A_451, %sign3A_463 : i32
      %sign3A_465 = arith.extui %sign3A_464 : i1 to i32
      %sign3A_466 = arith.subi %sign3A_462, %sign3A_465 : i32
      %ne3A_467 = arith.cmpi ne, %sign3A_459, %sign3A_466 : i32
      %rem3A_468 = arith.remsi %add3A_450, %jit3A_451 : i32
      %ne3A_469 = arith.constant 0 : i32
      %ne3A_470 = arith.cmpi ne, %rem3A_468, %ne3A_469 : i32
      %and3A_471 = arith.andi %ne3A_467, %ne3A_470 : i1
      %sub3A_472 = arith.constant 1 : i32
      %sub3A_473 = arith.subi %div3A_452, %sub3A_472 : i32
      %select_n3A_474 = arith.select %and3A_471, %sub3A_473, %div3A_452 : i32
      %jit3A_475 = arith.constant 8 : i32
      %eq3A_476 = arith.constant 0 : i32
      %eq3A_477 = arith.cmpi eq, %jit3A_475, %eq3A_476 : i32
      %jit3A_478 = arith.constant 1 : i32
      %select_n3A_479 = arith.select %eq3A_477, %jit3A_478, %jit3A_475 : i32
      %rem3A_480 = arith.remsi %add3A_450, %select_n3A_479 : i32
      %ne3A_481 = arith.constant 0 : i32
      %ne3A_482 = arith.cmpi ne, %rem3A_480, %ne3A_481 : i32
      %lt3A_483 = arith.constant 0 : i32
      %lt3A_484 = arith.cmpi slt, %rem3A_480, %lt3A_483 : i32
      %lt3A_485 = arith.constant 0 : i32
      %lt3A_486 = arith.cmpi slt, %select_n3A_479, %lt3A_485 : i32
      %ne3A_487 = arith.xori %lt3A_484, %lt3A_486 : i1
      %and3A_488 = arith.andi %ne3A_487, %ne3A_482 : i1
      %add3A_489 = arith.addi %rem3A_480, %select_n3A_479 : i32
      %select_n3A_490 = arith.select %and3A_488, %add3A_489, %rem3A_480 : i32
      %mul3A_491 = arith.constant 8 : i32
      %mul3A_492 = arith.muli %select_n3A_490, %mul3A_491 : i32
      %dma_wait3A_493 = arith.constant 0 : i32
      %dma_wait3A_494 = arith.constant 0 : i32
      %dma_wait3A_495 = arith.constant 0 : i32
      %dma_wait3A_496 = arith.constant 0 : i32
      %dma_wait3A_497 = tpu.memref_slice %arg8[%dma_wait3A_493, %dma_wait3A_495, %dma_wait3A_496] : memref<3x8x4096xf32, #tpu.memory_space<vmem>> -> memref<1x8x4096xf32, #tpu.memory_space<vmem>>
      %dma_wait3A_498 = tpu.memref_squeeze %dma_wait3A_497 : memref<1x8x4096xf32, #tpu.memory_space<vmem>> -> memref<8x4096xf32, #tpu.memory_space<vmem>>
      %dma_wait3A_499 = arith.constant 0 : i32
      %dma_wait3A_500 = tpu.memref_slice %arg2[%select_n3A_474, %mul3A_492, %dma_wait3A_499] : memref<200x64x4096xf32, #tpu.memory_space<hbm>> -> memref<1x8x4096xf32, #tpu.memory_space<hbm>>
      %dma_wait3A_501 = tpu.memref_squeeze %dma_wait3A_500 : memref<1x8x4096xf32, #tpu.memory_space<hbm>> -> memref<8x4096xf32, #tpu.memory_space<hbm>>
      %dma_wait3A_502 = tpu.memref_slice %arg9[%dma_wait3A_494] : memref<3x!tpu.dma_semaphore, #tpu.memory_space<semaphore_mem>> -> memref<1x!tpu.dma_semaphore, #tpu.memory_space<semaphore_mem>>
      %dma_wait3A_503 = tpu.memref_squeeze %dma_wait3A_502 : memref<1x!tpu.dma_semaphore, #tpu.memory_space<semaphore_mem>> -> memref<!tpu.dma_semaphore, #tpu.memory_space<semaphore_mem>>
      %dma_wait3A_504 = arith.constant 0 : i32
      %dma_wait3A_505 = arith.constant 0 : i32
      %dma_wait3A_506 = tpu.memref_slice %arg8[%dma_wait3A_493, %dma_wait3A_504, %dma_wait3A_505] : memref<3x8x4096xf32, #tpu.memory_space<vmem>> -> memref<1x8x4096xf32, #tpu.memory_space<vmem>>
      %dma_wait3A_507 = tpu.memref_squeeze %dma_wait3A_506 : memref<1x8x4096xf32, #tpu.memory_space<vmem>> -> memref<8x4096xf32, #tpu.memory_space<vmem>>
      %dma_wait3A_508 = arith.constant 0 : i32
      %dma_wait3A_509 = tpu.memref_slice %arg2[%select_n3A_474, %mul3A_492, %dma_wait3A_508] : memref<200x64x4096xf32, #tpu.memory_space<hbm>> -> memref<1x8x4096xf32, #tpu.memory_space<hbm>>
      %dma_wait3A_510 = tpu.memref_squeeze %dma_wait3A_509 : memref<1x8x4096xf32, #tpu.memory_space<hbm>> -> memref<8x4096xf32, #tpu.memory_space<hbm>>
      tpu.wait_dma2 semaphore(%dma_wait3A_503 : memref<!tpu.dma_semaphore, #tpu.memory_space<semaphore_mem>>) src(%dma_wait3A_510 : memref<8x4096xf32, #tpu.memory_space<hbm>>) dst(%dma_wait3A_507 : memref<8x4096xf32, #tpu.memory_space<vmem>>)
      %parallel_loop3A = arith.constant 0 : i32
      %parallel_loop3A_511 = arith.constant 256 : i32
      %parallel_loop3A_512 = arith.constant 1 : i32
      scf.for %parallel_loop3A_861 = %parallel_loop3A to %parallel_loop3A_511 step %parallel_loop3A_512  : i32 {
        %parallel_loop3A_862 = arith.constant 16 : i32
        %parallel_loop3A_863 = arith.muli %parallel_loop3A_861, %parallel_loop3A_862 : i32
        %parallel_loop3A_864 = arith.index_cast %parallel_loop3A_863 : i32 to index
        %parallel_loop3A_865 = tpu.vector_load %arg7[%parallel_loop3A_864] {strides = array<i32>} : memref<4096xi32, #tpu.memory_space<vmem>>, vector<16xi32>,
        %parallel_loop3A_866 = vector.shape_cast %parallel_loop3A_865 : vector<16xi32> to vector<16xi32>
        %parallel_loop3A_867 = vector.broadcast %select_n3A_273 : i32 to vector<16xi32>
        %parallel_loop3A_868 = arith.cmpi sgt, %parallel_loop3A_866, %parallel_loop3A_867 : vector<16xi32>
        %parallel_loop3A_869 = arith.constant 0.000000e+00 : f32
        %parallel_loop3A_870 = vector.broadcast %parallel_loop3A_869 : f32 to vector<16xf32>
        %parallel_loop3A_871 = arith.select %parallel_loop3A_868, %gather3A_384, %parallel_loop3A_870 : vector<16xi1>, vector<16xf32>
        %parallel_loop3A_872 = arith.constant 0 : i32
        %parallel_loop3A_873 = arith.constant 0 : i32
        %parallel_loop3A_874 = arith.index_cast %parallel_loop3A_872 : i32 to index
        %parallel_loop3A_875 = arith.index_cast %parallel_loop3A_873 : i32 to index
        %parallel_loop3A_876 = arith.index_cast %parallel_loop3A_863 : i32 to index
        %parallel_loop3A_877 = tpu.vector_load %arg8[%parallel_loop3A_874, %parallel_loop3A_875, %parallel_loop3A_876] {strides = array<i32>} : memref<3x8x4096xf32, #tpu.memory_space<vmem>>, vector<1x1x16xf32>,
        %parallel_loop3A_878 = vector.shape_cast %parallel_loop3A_877 : vector<1x1x16xf32> to vector<16xf32>
        %parallel_loop3A_879 = vector.shape_cast %parallel_loop3A_871 : vector<16xf32> to vector<1x1x16xf32>
        tpu.vector_store %arg8[%parallel_loop3A_874, %parallel_loop3A_875, %parallel_loop3A_876], %parallel_loop3A_879 {add = true, strides = array<i32>} : memref<3x8x4096xf32, #tpu.memory_space<vmem>>, vector<1x1x16xf32>,
        %parallel_loop3A_880 = arith.select %parallel_loop3A_868, %gather3A_393, %parallel_loop3A_870 : vector<16xi1>, vector<16xf32>
        %parallel_loop3A_881 = arith.constant 0 : i32
        %parallel_loop3A_882 = arith.constant 1 : i32
        %parallel_loop3A_883 = arith.index_cast %parallel_loop3A_881 : i32 to index
        %parallel_loop3A_884 = arith.index_cast %parallel_loop3A_882 : i32 to index
        %parallel_loop3A_885 = arith.index_cast %parallel_loop3A_863 : i32 to index
        %parallel_loop3A_886 = tpu.vector_load %arg8[%parallel_loop3A_883, %parallel_loop3A_884, %parallel_loop3A_885] {strides = array<i32>} : memref<3x8x4096xf32, #tpu.memory_space<vmem>>, vector<1x1x16xf32>,
        %parallel_loop3A_887 = vector.shape_cast %parallel_loop3A_886 : vector<1x1x16xf32> to vector<16xf32>
        %parallel_loop3A_888 = vector.shape_cast %parallel_loop3A_880 : vector<16xf32> to vector<1x1x16xf32>
        tpu.vector_store %arg8[%parallel_loop3A_883, %parallel_loop3A_884, %parallel_loop3A_885], %parallel_loop3A_888 {add = true, strides = array<i32>} : memref<3x8x4096xf32, #tpu.memory_space<vmem>>, vector<1x1x16xf32>,
        %parallel_loop3A_889 = arith.select %parallel_loop3A_868, %gather3A_402, %parallel_loop3A_870 : vector<16xi1>, vector<16xf32>
        %parallel_loop3A_890 = arith.constant 0 : i32
        %parallel_loop3A_891 = arith.constant 2 : i32
        %parallel_loop3A_892 = arith.index_cast %parallel_loop3A_890 : i32 to index
        %parallel_loop3A_893 = arith.index_cast %parallel_loop3A_891 : i32 to index
        %parallel_loop3A_894 = arith.index_cast %parallel_loop3A_863 : i32 to index
        %parallel_loop3A_895 = tpu.vector_load %arg8[%parallel_loop3A_892, %parallel_loop3A_893, %parallel_loop3A_894] {strides = array<i32>} : memref<3x8x4096xf32, #tpu.memory_space<vmem>>, vector<1x1x16xf32>,
        %parallel_loop3A_896 = vector.shape_cast %parallel_loop3A_895 : vector<1x1x16xf32> to vector<16xf32>
        %parallel_loop3A_897 = vector.shape_cast %parallel_loop3A_889 : vector<16xf32> to vector<1x1x16xf32>
        tpu.vector_store %arg8[%parallel_loop3A_892, %parallel_loop3A_893, %parallel_loop3A_894], %parallel_loop3A_897 {add = true, strides = array<i32>} : memref<3x8x4096xf32, #tpu.memory_space<vmem>>, vector<1x1x16xf32>,
        %parallel_loop3A_898 = arith.select %parallel_loop3A_868, %gather3A_411, %parallel_loop3A_870 : vector<16xi1>, vector<16xf32>
        %parallel_loop3A_899 = arith.constant 0 : i32
        %parallel_loop3A_900 = arith.constant 3 : i32
        %parallel_loop3A_901 = arith.index_cast %parallel_loop3A_899 : i32 to index
        %parallel_loop3A_902 = arith.index_cast %parallel_loop3A_900 : i32 to index
        %parallel_loop3A_903 = arith.index_cast %parallel_loop3A_863 : i32 to index
        %parallel_loop3A_904 = tpu.vector_load %arg8[%parallel_loop3A_901, %parallel_loop3A_902, %parallel_loop3A_903] {strides = array<i32>} : memref<3x8x4096xf32, #tpu.memory_space<vmem>>, vector<1x1x16xf32>,
        %parallel_loop3A_905 = vector.shape_cast %parallel_loop3A_904 : vector<1x1x16xf32> to vector<16xf32>
        %parallel_loop3A_906 = vector.shape_cast %parallel_loop3A_898 : vector<16xf32> to vector<1x1x16xf32>
        tpu.vector_store %arg8[%parallel_loop3A_901, %parallel_loop3A_902, %parallel_loop3A_903], %parallel_loop3A_906 {add = true, strides = array<i32>} : memref<3x8x4096xf32, #tpu.memory_space<vmem>>, vector<1x1x16xf32>,
        %parallel_loop3A_907 = arith.select %parallel_loop3A_868, %gather3A_420, %parallel_loop3A_870 : vector<16xi1>, vector<16xf32>
        %parallel_loop3A_908 = arith.constant 0 : i32
        %parallel_loop3A_909 = arith.constant 4 : i32
        %parallel_loop3A_910 = arith.index_cast %parallel_loop3A_908 : i32 to index
        %parallel_loop3A_911 = arith.index_cast %parallel_loop3A_909 : i32 to index
        %parallel_loop3A_912 = arith.index_cast %parallel_loop3A_863 : i32 to index
        %parallel_loop3A_913 = tpu.vector_load %arg8[%parallel_loop3A_910, %parallel_loop3A_911, %parallel_loop3A_912] {strides = array<i32>} : memref<3x8x4096xf32, #tpu.memory_space<vmem>>, vector<1x1x16xf32>,
        %parallel_loop3A_914 = vector.shape_cast %parallel_loop3A_913 : vector<1x1x16xf32> to vector<16xf32>
        %parallel_loop3A_915 = vector.shape_cast %parallel_loop3A_907 : vector<16xf32> to vector<1x1x16xf32>
        tpu.vector_store %arg8[%parallel_loop3A_910, %parallel_loop3A_911, %parallel_loop3A_912], %parallel_loop3A_915 {add = true, strides = array<i32>} : memref<3x8x4096xf32, #tpu.memory_space<vmem>>, vector<1x1x16xf32>,
        %parallel_loop3A_916 = arith.select %parallel_loop3A_868, %gather3A_429, %parallel_loop3A_870 : vector<16xi1>, vector<16xf32>
        %parallel_loop3A_917 = arith.constant 0 : i32
        %parallel_loop3A_918 = arith.constant 5 : i32
        %parallel_loop3A_919 = arith.index_cast %parallel_loop3A_917 : i32 to index
        %parallel_loop3A_920 = arith.index_cast %parallel_loop3A_918 : i32 to index
        %parallel_loop3A_921 = arith.index_cast %parallel_loop3A_863 : i32 to index
        %parallel_loop3A_922 = tpu.vector_load %arg8[%parallel_loop3A_919, %parallel_loop3A_920, %parallel_loop3A_921] {strides = array<i32>} : memref<3x8x4096xf32, #tpu.memory_space<vmem>>, vector<1x1x16xf32>,
        %parallel_loop3A_923 = vector.shape_cast %parallel_loop3A_922 : vector<1x1x16xf32> to vector<16xf32>
        %parallel_loop3A_924 = vector.shape_cast %parallel_loop3A_916 : vector<16xf32> to vector<1x1x16xf32>
        tpu.vector_store %arg8[%parallel_loop3A_919, %parallel_loop3A_920, %parallel_loop3A_921], %parallel_loop3A_924 {add = true, strides = array<i32>} : memref<3x8x4096xf32, #tpu.memory_space<vmem>>, vector<1x1x16xf32>,
        %parallel_loop3A_925 = arith.select %parallel_loop3A_868, %gather3A_438, %parallel_loop3A_870 : vector<16xi1>, vector<16xf32>
        %parallel_loop3A_926 = arith.constant 0 : i32
        %parallel_loop3A_927 = arith.constant 6 : i32
        %parallel_loop3A_928 = arith.index_cast %parallel_loop3A_926 : i32 to index
        %parallel_loop3A_929 = arith.index_cast %parallel_loop3A_927 : i32 to index
        %parallel_loop3A_930 = arith.index_cast %parallel_loop3A_863 : i32 to index
        %parallel_loop3A_931 = tpu.vector_load %arg8[%parallel_loop3A_928, %parallel_loop3A_929, %parallel_loop3A_930] {strides = array<i32>} : memref<3x8x4096xf32, #tpu.memory_space<vmem>>, vector<1x1x16xf32>,
        %parallel_loop3A_932 = vector.shape_cast %parallel_loop3A_931 : vector<1x1x16xf32> to vector<16xf32>
        %parallel_loop3A_933 = vector.shape_cast %parallel_loop3A_925 : vector<16xf32> to vector<1x1x16xf32>
        tpu.vector_store %arg8[%parallel_loop3A_928, %parallel_loop3A_929, %parallel_loop3A_930], %parallel_loop3A_933 {add = true, strides = array<i32>} : memref<3x8x4096xf32, #tpu.memory_space<vmem>>, vector<1x1x16xf32>,
        %parallel_loop3A_934 = arith.select %parallel_loop3A_868, %gather3A_447, %parallel_loop3A_870 : vector<16xi1>, vector<16xf32>
        %parallel_loop3A_935 = arith.constant 0 : i32
        %parallel_loop3A_936 = arith.constant 7 : i32
        %parallel_loop3A_937 = arith.index_cast %parallel_loop3A_935 : i32 to index
        %parallel_loop3A_938 = arith.index_cast %parallel_loop3A_936 : i32 to index
        %parallel_loop3A_939 = arith.index_cast %parallel_loop3A_863 : i32 to index
        %parallel_loop3A_940 = tpu.vector_load %arg8[%parallel_loop3A_937, %parallel_loop3A_938, %parallel_loop3A_939] {strides = array<i32>} : memref<3x8x4096xf32, #tpu.memory_space<vmem>>, vector<1x1x16xf32>,
        %parallel_loop3A_941 = vector.shape_cast %parallel_loop3A_940 : vector<1x1x16xf32> to vector<16xf32>
        %parallel_loop3A_942 = vector.shape_cast %parallel_loop3A_934 : vector<16xf32> to vector<1x1x16xf32>
        tpu.vector_store %arg8[%parallel_loop3A_937, %parallel_loop3A_938, %parallel_loop3A_939], %parallel_loop3A_942 {add = true, strides = array<i32>} : memref<3x8x4096xf32, #tpu.memory_space<vmem>>, vector<1x1x16xf32>,
      } {sc.loop_unroll_factor = 4 : i64, sc.parallel_access}
      %mul3A_513 = arith.constant 32 : i32
      %mul3A_514 = arith.muli %add3A_246, %mul3A_513 : i32
      %add3A_515 = arith.addi %add3A, %mul3A_514 : i32
      %jit3A_516 = arith.constant 8 : i32
      %div3A_517 = arith.divsi %add3A_515, %jit3A_516 : i32
      %sign3A_518 = arith.constant 0 : i32
      %sign3A_519 = arith.cmpi sgt, %add3A_515, %sign3A_518 : i32
      %sign3A_520 = arith.extui %sign3A_519 : i1 to i32
      %sign3A_521 = arith.constant 0 : i32
      %sign3A_522 = arith.cmpi slt, %add3A_515, %sign3A_521 : i32
      %sign3A_523 = arith.extui %sign3A_522 : i1 to i32
      %sign3A_524 = arith.subi %sign3A_520, %sign3A_523 : i32
      %sign3A_525 = arith.constant 0 : i32
      %sign3A_526 = arith.cmpi sgt, %jit3A_516, %sign3A_525 : i32
      %sign3A_527 = arith.extui %sign3A_526 : i1 to i32
      %sign3A_528 = arith.constant 0 : i32
      %sign3A_529 = arith.cmpi slt, %jit3A_516, %sign3A_528 : i32
      %sign3A_530 = arith.extui %sign3A_529 : i1 to i32
      %sign3A_531 = arith.subi %sign3A_527, %sign3A_530 : i32
      %ne3A_532 = arith.cmpi ne, %sign3A_524, %sign3A_531 : i32
      %rem3A_533 = arith.remsi %add3A_515, %jit3A_516 : i32
      %ne3A_534 = arith.constant 0 : i32
      %ne3A_535 = arith.cmpi ne, %rem3A_533, %ne3A_534 : i32
      %and3A_536 = arith.andi %ne3A_532, %ne3A_535 : i1
      %sub3A_537 = arith.constant 1 : i32
      %sub3A_538 = arith.subi %div3A_517, %sub3A_537 : i32
      %select_n3A_539 = arith.select %and3A_536, %sub3A_538, %div3A_517 : i32
      %jit3A_540 = arith.constant 8 : i32
      %eq3A_541 = arith.constant 0 : i32
      %eq3A_542 = arith.cmpi eq, %jit3A_540, %eq3A_541 : i32
      %jit3A_543 = arith.constant 1 : i32
      %select_n3A_544 = arith.select %eq3A_542, %jit3A_543, %jit3A_540 : i32
      %rem3A_545 = arith.remsi %add3A_515, %select_n3A_544 : i32
      %ne3A_546 = arith.constant 0 : i32
      %ne3A_547 = arith.cmpi ne, %rem3A_545, %ne3A_546 : i32
      %lt3A_548 = arith.constant 0 : i32
      %lt3A_549 = arith.cmpi slt, %rem3A_545, %lt3A_548 : i32
      %lt3A_550 = arith.constant 0 : i32
      %lt3A_551 = arith.cmpi slt, %select_n3A_544, %lt3A_550 : i32
      %ne3A_552 = arith.xori %lt3A_549, %lt3A_551 : i1
      %and3A_553 = arith.andi %ne3A_552, %ne3A_547 : i1
      %add3A_554 = arith.addi %rem3A_545, %select_n3A_544 : i32
      %select_n3A_555 = arith.select %and3A_553, %add3A_554, %rem3A_545 : i32
      %mul3A_556 = arith.constant 8 : i32
      %mul3A_557 = arith.muli %select_n3A_555, %mul3A_556 : i32
      %dma_start3A_558 = arith.constant 0 : i32
      %dma_start3A_559 = arith.constant 0 : i32
      %dma_start3A_560 = arith.constant 0 : i32
      %dma_start3A_561 = arith.constant 0 : i32
      %dma_start3A_562 = tpu.memref_slice %arg8[%dma_start3A_558, %dma_start3A_560, %dma_start3A_561] : memref<3x8x4096xf32, #tpu.memory_space<vmem>> -> memref<1x8x4096xf32, #tpu.memory_space<vmem>>
      %dma_start3A_563 = tpu.memref_squeeze %dma_start3A_562 : memref<1x8x4096xf32, #tpu.memory_space<vmem>> -> memref<8x4096xf32, #tpu.memory_space<vmem>>
      %dma_start3A_564 = arith.constant 0 : i32
      %dma_start3A_565 = tpu.memref_slice %arg5[%select_n3A_539, %mul3A_557, %dma_start3A_564] : memref<200x64x4096xf32, #tpu.memory_space<hbm>> -> memref<1x8x4096xf32, #tpu.memory_space<hbm>>
      %dma_start3A_566 = tpu.memref_squeeze %dma_start3A_565 : memref<1x8x4096xf32, #tpu.memory_space<hbm>> -> memref<8x4096xf32, #tpu.memory_space<hbm>>
      %dma_start3A_567 = tpu.memref_slice %arg10[%dma_start3A_559] : memref<3x!tpu.dma_semaphore, #tpu.memory_space<semaphore_mem>> -> memref<1x!tpu.dma_semaphore, #tpu.memory_space<semaphore_mem>>
      %dma_start3A_568 = tpu.memref_squeeze %dma_start3A_567 : memref<1x!tpu.dma_semaphore, #tpu.memory_space<semaphore_mem>> -> memref<!tpu.dma_semaphore, #tpu.memory_space<semaphore_mem>>
      %dma_start3A_569 = arith.constant 0 : i32
      %dma_start3A_570 = tpu.memref_slice %arg5[%select_n3A_539, %mul3A_557, %dma_start3A_569] : memref<200x64x4096xf32, #tpu.memory_space<hbm>> -> memref<1x8x4096xf32, #tpu.memory_space<hbm>>
      %dma_start3A_571 = tpu.memref_squeeze %dma_start3A_570 : memref<1x8x4096xf32, #tpu.memory_space<hbm>> -> memref<8x4096xf32, #tpu.memory_space<hbm>>
      %dma_start3A_572 = arith.constant 0 : i32
      %dma_start3A_573 = arith.constant 0 : i32
      %dma_start3A_574 = tpu.memref_slice %arg8[%dma_start3A_558, %dma_start3A_572, %dma_start3A_573] : memref<3x8x4096xf32, #tpu.memory_space<vmem>> -> memref<1x8x4096xf32, #tpu.memory_space<vmem>>
      %dma_start3A_575 = tpu.memref_squeeze %dma_start3A_574 : memref<1x8x4096xf32, #tpu.memory_space<vmem>> -> memref<8x4096xf32, #tpu.memory_space<vmem>>
      tpu.enqueue_dma source(%dma_start3A_575 : memref<8x4096xf32, #tpu.memory_space<vmem>>) target(%dma_start3A_571 : memref<8x4096xf32, #tpu.memory_space<hbm>>) target_semaphore(%dma_start3A_568 : memref<!tpu.dma_semaphore, #tpu.memory_space<semaphore_mem>>)
      %mul3A_576 = arith.constant 3 : i32
      %mul3A_577 = arith.muli %scan3A_242, %mul3A_576 : i32
      %add3A_578 = arith.constant 1 : i32
      %add3A_579 = arith.addi %mul3A_577, %add3A_578 : i32
      %mul3A_580 = arith.constant 32 : i32
      %mul3A_581 = arith.muli %add3A_579, %mul3A_580 : i32
      %add3A_582 = arith.addi %add3A, %mul3A_581 : i32
      %jit3A_583 = arith.constant 8 : i32
      %div3A_584 = arith.divsi %add3A_582, %jit3A_583 : i32
      %sign3A_585 = arith.constant 0 : i32
      %sign3A_586 = arith.cmpi sgt, %add3A_582, %sign3A_585 : i32
      %sign3A_587 = arith.extui %sign3A_586 : i1 to i32
      %sign3A_588 = arith.constant 0 : i32
      %sign3A_589 = arith.cmpi slt, %add3A_582, %sign3A_588 : i32
      %sign3A_590 = arith.extui %sign3A_589 : i1 to i32
      %sign3A_591 = arith.subi %sign3A_587, %sign3A_590 : i32
      %sign3A_592 = arith.constant 0 : i32
      %sign3A_593 = arith.cmpi sgt, %jit3A_583, %sign3A_592 : i32
      %sign3A_594 = arith.extui %sign3A_593 : i1 to i32
      %sign3A_595 = arith.constant 0 : i32
      %sign3A_596 = arith.cmpi slt, %jit3A_583, %sign3A_595 : i32
      %sign3A_597 = arith.extui %sign3A_596 : i1 to i32
      %sign3A_598 = arith.subi %sign3A_594, %sign3A_597 : i32
      %ne3A_599 = arith.cmpi ne, %sign3A_591, %sign3A_598 : i32
      %rem3A_600 = arith.remsi %add3A_582, %jit3A_583 : i32
      %ne3A_601 = arith.constant 0 : i32
      %ne3A_602 = arith.cmpi ne, %rem3A_600, %ne3A_601 : i32
      %and3A_603 = arith.andi %ne3A_599, %ne3A_602 : i1
      %sub3A_604 = arith.constant 1 : i32
      %sub3A_605 = arith.subi %div3A_584, %sub3A_604 : i32
      %select_n3A_606 = arith.select %and3A_603, %sub3A_605, %div3A_584 : i32
      %jit3A_607 = arith.constant 8 : i32
      %eq3A_608 = arith.constant 0 : i32
      %eq3A_609 = arith.cmpi eq, %jit3A_607, %eq3A_608 : i32
      %jit3A_610 = arith.constant 1 : i32
      %select_n3A_611 = arith.select %eq3A_609, %jit3A_610, %jit3A_607 : i32
      %rem3A_612 = arith.remsi %add3A_582, %select_n3A_611 : i32
      %ne3A_613 = arith.constant 0 : i32
      %ne3A_614 = arith.cmpi ne, %rem3A_612, %ne3A_613 : i32
      %lt3A_615 = arith.constant 0 : i32
      %lt3A_616 = arith.cmpi slt, %rem3A_612, %lt3A_615 : i32
      %lt3A_617 = arith.constant 0 : i32
      %lt3A_618 = arith.cmpi slt, %select_n3A_611, %lt3A_617 : i32
      %ne3A_619 = arith.xori %lt3A_616, %lt3A_618 : i1
      %and3A_620 = arith.andi %ne3A_619, %ne3A_614 : i1
      %add3A_621 = arith.addi %rem3A_612, %select_n3A_611 : i32
      %select_n3A_622 = arith.select %and3A_620, %add3A_621, %rem3A_612 : i32
      %mul3A_623 = arith.constant 8 : i32
      %mul3A_624 = arith.muli %select_n3A_622, %mul3A_623 : i32
      %lt3A_625 = arith.constant 16 : i32
      %lt3A_626 = arith.cmpi slt, %scan3A_242, %lt3A_625 : i32
      %convert_element_type3A_627 = arith.extui %lt3A_626 : i1 to i32
      %cond3A_628 = arith.constant 0 : i32
      %cond3A_629 = arith.cmpi ne, %convert_element_type3A_627, %cond3A_628 : i32
      scf.if %cond3A_629 {
        %ge3A_861 = arith.constant 1 : i32
        %ge3A_862 = arith.cmpi sge, %scan3A_242, %ge3A_861 : i32
        %convert_element_type3A_863 = arith.extui %ge3A_862 : i1 to i32
        %cond3A_864 = arith.constant 0 : i32
        %cond3A_865 = arith.cmpi ne, %convert_element_type3A_863, %cond3A_864 : i32
        scf.if %cond3A_865 {
          %sub3A_931 = arith.constant 2 : i32
          %sub3A_932 = arith.subi %add3A_579, %sub3A_931 : i32
          %mul3A_933 = arith.constant 32 : i32
          %mul3A_934 = arith.muli %sub3A_932, %mul3A_933 : i32
          %add3A_935 = arith.addi %add3A, %mul3A_934 : i32
          %jit3A_936 = arith.constant 8 : i32
          %div3A_937 = arith.divsi %add3A_935, %jit3A_936 : i32
          %sign3A_938 = arith.constant 0 : i32
          %sign3A_939 = arith.cmpi sgt, %add3A_935, %sign3A_938 : i32
          %sign3A_940 = arith.extui %sign3A_939 : i1 to i32
          %sign3A_941 = arith.constant 0 : i32
          %sign3A_942 = arith.cmpi slt, %add3A_935, %sign3A_941 : i32
          %sign3A_943 = arith.extui %sign3A_942 : i1 to i32
          %sign3A_944 = arith.subi %sign3A_940, %sign3A_943 : i32
          %sign3A_945 = arith.constant 0 : i32
          %sign3A_946 = arith.cmpi sgt, %jit3A_936, %sign3A_945 : i32
          %sign3A_947 = arith.extui %sign3A_946 : i1 to i32
          %sign3A_948 = arith.constant 0 : i32
          %sign3A_949 = arith.cmpi slt, %jit3A_936, %sign3A_948 : i32
          %sign3A_950 = arith.extui %sign3A_949 : i1 to i32
          %sign3A_951 = arith.subi %sign3A_947, %sign3A_950 : i32
          %ne3A_952 = arith.cmpi ne, %sign3A_944, %sign3A_951 : i32
          %rem3A_953 = arith.remsi %add3A_935, %jit3A_936 : i32
          %ne3A_954 = arith.constant 0 : i32
          %ne3A_955 = arith.cmpi ne, %rem3A_953, %ne3A_954 : i32
          %and3A_956 = arith.andi %ne3A_952, %ne3A_955 : i1
          %sub3A_957 = arith.constant 1 : i32
          %sub3A_958 = arith.subi %div3A_937, %sub3A_957 : i32
          %select_n3A_959 = arith.select %and3A_956, %sub3A_958, %div3A_937 : i32
          %jit3A_960 = arith.constant 8 : i32
          %eq3A_961 = arith.constant 0 : i32
          %eq3A_962 = arith.cmpi eq, %jit3A_960, %eq3A_961 : i32
          %jit3A_963 = arith.constant 1 : i32
          %select_n3A_964 = arith.select %eq3A_962, %jit3A_963, %jit3A_960 : i32
          %rem3A_965 = arith.remsi %add3A_935, %select_n3A_964 : i32
          %ne3A_966 = arith.constant 0 : i32
          %ne3A_967 = arith.cmpi ne, %rem3A_965, %ne3A_966 : i32
          %lt3A_968 = arith.constant 0 : i32
          %lt3A_969 = arith.cmpi slt, %rem3A_965, %lt3A_968 : i32
          %lt3A_970 = arith.constant 0 : i32
          %lt3A_971 = arith.cmpi slt, %select_n3A_964, %lt3A_970 : i32
          %ne3A_972 = arith.xori %lt3A_969, %lt3A_971 : i1
          %and3A_973 = arith.andi %ne3A_972, %ne3A_967 : i1
          %add3A_974 = arith.addi %rem3A_965, %select_n3A_964 : i32
          %select_n3A_975 = arith.select %and3A_973, %add3A_974, %rem3A_965 : i32
          %mul3A_976 = arith.constant 8 : i32
          %mul3A_977 = arith.muli %select_n3A_975, %mul3A_976 : i32
          %dma_wait3A_978 = arith.constant 2 : i32
          %dma_wait3A_979 = arith.constant 2 : i32
          %dma_wait3A_980 = arith.constant 0 : i32
          %dma_wait3A_981 = arith.constant 0 : i32
          %dma_wait3A_982 = tpu.memref_slice %arg8[%dma_wait3A_978, %dma_wait3A_980, %dma_wait3A_981] : memref<3x8x4096xf32, #tpu.memory_space<vmem>> -> memref<1x8x4096xf32, #tpu.memory_space<vmem>>
          %dma_wait3A_983 = tpu.memref_squeeze %dma_wait3A_982 : memref<1x8x4096xf32, #tpu.memory_space<vmem>> -> memref<8x4096xf32, #tpu.memory_space<vmem>>
          %dma_wait3A_984 = arith.constant 0 : i32
          %dma_wait3A_985 = tpu.memref_slice %arg5[%select_n3A_959, %mul3A_977, %dma_wait3A_984] : memref<200x64x4096xf32, #tpu.memory_space<hbm>> -> memref<1x8x4096xf32, #tpu.memory_space<hbm>>
          %dma_wait3A_986 = tpu.memref_squeeze %dma_wait3A_985 : memref<1x8x4096xf32, #tpu.memory_space<hbm>> -> memref<8x4096xf32, #tpu.memory_space<hbm>>
          %dma_wait3A_987 = tpu.memref_slice %arg10[%dma_wait3A_979] : memref<3x!tpu.dma_semaphore, #tpu.memory_space<semaphore_mem>> -> memref<1x!tpu.dma_semaphore, #tpu.memory_space<semaphore_mem>>
          %dma_wait3A_988 = tpu.memref_squeeze %dma_wait3A_987 : memref<1x!tpu.dma_semaphore, #tpu.memory_space<semaphore_mem>> -> memref<!tpu.dma_semaphore, #tpu.memory_space<semaphore_mem>>
          %dma_wait3A_989 = arith.constant 0 : i32
          %dma_wait3A_990 = tpu.memref_slice %arg5[%select_n3A_959, %mul3A_977, %dma_wait3A_989] : memref<200x64x4096xf32, #tpu.memory_space<hbm>> -> memref<1x8x4096xf32, #tpu.memory_space<hbm>>
          %dma_wait3A_991 = tpu.memref_squeeze %dma_wait3A_990 : memref<1x8x4096xf32, #tpu.memory_space<hbm>> -> memref<8x4096xf32, #tpu.memory_space<hbm>>
          %dma_wait3A_992 = arith.constant 0 : i32
          %dma_wait3A_993 = arith.constant 0 : i32
          %dma_wait3A_994 = tpu.memref_slice %arg8[%dma_wait3A_978, %dma_wait3A_992, %dma_wait3A_993] : memref<3x8x4096xf32, #tpu.memory_space<vmem>> -> memref<1x8x4096xf32, #tpu.memory_space<vmem>>
          %dma_wait3A_995 = tpu.memref_squeeze %dma_wait3A_994 : memref<1x8x4096xf32, #tpu.memory_space<vmem>> -> memref<8x4096xf32, #tpu.memory_space<vmem>>
          tpu.wait_dma2 semaphore(%dma_wait3A_988 : memref<!tpu.dma_semaphore, #tpu.memory_space<semaphore_mem>>) src(%dma_wait3A_995 : memref<8x4096xf32, #tpu.memory_space<vmem>>) dst(%dma_wait3A_991 : memref<8x4096xf32, #tpu.memory_space<hbm>>)
        } else {
        }
        %add3A_866 = arith.constant 1 : i32
        %add3A_867 = arith.addi %add3A_579, %add3A_866 : i32
        %mul3A_868 = arith.constant 32 : i32
        %mul3A_869 = arith.muli %add3A_867, %mul3A_868 : i32
        %add3A_870 = arith.addi %add3A, %mul3A_869 : i32
        %jit3A_871 = arith.constant 8 : i32
        %div3A_872 = arith.divsi %add3A_870, %jit3A_871 : i32
        %sign3A_873 = arith.constant 0 : i32
        %sign3A_874 = arith.cmpi sgt, %add3A_870, %sign3A_873 : i32
        %sign3A_875 = arith.extui %sign3A_874 : i1 to i32
        %sign3A_876 = arith.constant 0 : i32
        %sign3A_877 = arith.cmpi slt, %add3A_870, %sign3A_876 : i32
        %sign3A_878 = arith.extui %sign3A_877 : i1 to i32
        %sign3A_879 = arith.subi %sign3A_875, %sign3A_878 : i32
        %sign3A_880 = arith.constant 0 : i32
        %sign3A_881 = arith.cmpi sgt, %jit3A_871, %sign3A_880 : i32
        %sign3A_882 = arith.extui %sign3A_881 : i1 to i32
        %sign3A_883 = arith.constant 0 : i32
        %sign3A_884 = arith.cmpi slt, %jit3A_871, %sign3A_883 : i32
        %sign3A_885 = arith.extui %sign3A_884 : i1 to i32
        %sign3A_886 = arith.subi %sign3A_882, %sign3A_885 : i32
        %ne3A_887 = arith.cmpi ne, %sign3A_879, %sign3A_886 : i32
        %rem3A_888 = arith.remsi %add3A_870, %jit3A_871 : i32
        %ne3A_889 = arith.constant 0 : i32
        %ne3A_890 = arith.cmpi ne, %rem3A_888, %ne3A_889 : i32
        %and3A_891 = arith.andi %ne3A_887, %ne3A_890 : i1
        %sub3A_892 = arith.constant 1 : i32
        %sub3A_893 = arith.subi %div3A_872, %sub3A_892 : i32
        %select_n3A_894 = arith.select %and3A_891, %sub3A_893, %div3A_872 : i32
        %jit3A_895 = arith.constant 8 : i32
        %eq3A_896 = arith.constant 0 : i32
        %eq3A_897 = arith.cmpi eq, %jit3A_895, %eq3A_896 : i32
        %jit3A_898 = arith.constant 1 : i32
        %select_n3A_899 = arith.select %eq3A_897, %jit3A_898, %jit3A_895 : i32
        %rem3A_900 = arith.remsi %add3A_870, %select_n3A_899 : i32
        %ne3A_901 = arith.constant 0 : i32
        %ne3A_902 = arith.cmpi ne, %rem3A_900, %ne3A_901 : i32
        %lt3A_903 = arith.constant 0 : i32
        %lt3A_904 = arith.cmpi slt, %rem3A_900, %lt3A_903 : i32
        %lt3A_905 = arith.constant 0 : i32
        %lt3A_906 = arith.cmpi slt, %select_n3A_899, %lt3A_905 : i32
        %ne3A_907 = arith.xori %lt3A_904, %lt3A_906 : i1
        %and3A_908 = arith.andi %ne3A_907, %ne3A_902 : i1
        %add3A_909 = arith.addi %rem3A_900, %select_n3A_899 : i32
        %select_n3A_910 = arith.select %and3A_908, %add3A_909, %rem3A_900 : i32
        %mul3A_911 = arith.constant 8 : i32
        %mul3A_912 = arith.muli %select_n3A_910, %mul3A_911 : i32
        %dma_start3A_913 = arith.constant 2 : i32
        %dma_start3A_914 = arith.constant 2 : i32
        %dma_start3A_915 = arith.constant 0 : i32
        %dma_start3A_916 = arith.constant 0 : i32
        %dma_start3A_917 = tpu.memref_slice %arg8[%dma_start3A_913, %dma_start3A_915, %dma_start3A_916] : memref<3x8x4096xf32, #tpu.memory_space<vmem>> -> memref<1x8x4096xf32, #tpu.memory_space<vmem>>
        %dma_start3A_918 = tpu.memref_squeeze %dma_start3A_917 : memref<1x8x4096xf32, #tpu.memory_space<vmem>> -> memref<8x4096xf32, #tpu.memory_space<vmem>>
        %dma_start3A_919 = arith.constant 0 : i32
        %dma_start3A_920 = tpu.memref_slice %arg2[%select_n3A_894, %mul3A_912, %dma_start3A_919] : memref<200x64x4096xf32, #tpu.memory_space<hbm>> -> memref<1x8x4096xf32, #tpu.memory_space<hbm>>
        %dma_start3A_921 = tpu.memref_squeeze %dma_start3A_920 : memref<1x8x4096xf32, #tpu.memory_space<hbm>> -> memref<8x4096xf32, #tpu.memory_space<hbm>>
        %dma_start3A_922 = tpu.memref_slice %arg9[%dma_start3A_914] : memref<3x!tpu.dma_semaphore, #tpu.memory_space<semaphore_mem>> -> memref<1x!tpu.dma_semaphore, #tpu.memory_space<semaphore_mem>>
        %dma_start3A_923 = tpu.memref_squeeze %dma_start3A_922 : memref<1x!tpu.dma_semaphore, #tpu.memory_space<semaphore_mem>> -> memref<!tpu.dma_semaphore, #tpu.memory_space<semaphore_mem>>
        %dma_start3A_924 = arith.constant 0 : i32
        %dma_start3A_925 = arith.constant 0 : i32
        %dma_start3A_926 = tpu.memref_slice %arg8[%dma_start3A_913, %dma_start3A_924, %dma_start3A_925] : memref<3x8x4096xf32, #tpu.memory_space<vmem>> -> memref<1x8x4096xf32, #tpu.memory_space<vmem>>
        %dma_start3A_927 = tpu.memref_squeeze %dma_start3A_926 : memref<1x8x4096xf32, #tpu.memory_space<vmem>> -> memref<8x4096xf32, #tpu.memory_space<vmem>>
        %dma_start3A_928 = arith.constant 0 : i32
        %dma_start3A_929 = tpu.memref_slice %arg2[%select_n3A_894, %mul3A_912, %dma_start3A_928] : memref<200x64x4096xf32, #tpu.memory_space<hbm>> -> memref<1x8x4096xf32, #tpu.memory_space<hbm>>
        %dma_start3A_930 = tpu.memref_squeeze %dma_start3A_929 : memref<1x8x4096xf32, #tpu.memory_space<hbm>> -> memref<8x4096xf32, #tpu.memory_space<hbm>>
        tpu.enqueue_dma source(%dma_start3A_930 : memref<8x4096xf32, #tpu.memory_space<hbm>>) target(%dma_start3A_927 : memref<8x4096xf32, #tpu.memory_space<vmem>>) target_semaphore(%dma_start3A_923 : memref<!tpu.dma_semaphore, #tpu.memory_space<semaphore_mem>>)
      } else {
      }
      %add3A_630 = arith.constant 1 : i32
      %add3A_631 = arith.addi %select_n3A_606, %add3A_630 : i32
      %jit3A_632 = arith.constant 16 : i32
      %eq3A_633 = arith.constant 0 : i32
      %eq3A_634 = arith.cmpi eq, %jit3A_632, %eq3A_633 : i32
      %jit3A_635 = arith.constant 1 : i32
      %select_n3A_636 = arith.select %eq3A_634, %jit3A_635, %jit3A_632 : i32
      %rem3A_637 = arith.remsi %add3A_631, %select_n3A_636 : i32
      %ne3A_638 = arith.constant 0 : i32
      %ne3A_639 = arith.cmpi ne, %rem3A_637, %ne3A_638 : i32
      %lt3A_640 = arith.constant 0 : i32
      %lt3A_641 = arith.cmpi slt, %rem3A_637, %lt3A_640 : i32
      %lt3A_642 = arith.constant 0 : i32
      %lt3A_643 = arith.cmpi slt, %select_n3A_636, %lt3A_642 : i32
      %ne3A_644 = arith.xori %lt3A_641, %lt3A_643 : i1
      %and3A_645 = arith.andi %ne3A_644, %ne3A_639 : i1
      %add3A_646 = arith.addi %rem3A_637, %select_n3A_636 : i32
      %select_n3A_647 = arith.select %and3A_645, %add3A_646, %rem3A_637 : i32
      %sub3A_648 = arith.subi %add3A_631, %select_n3A_647 : i32
      %multiple_of3A_649 = tpu.assume_multiple %sub3A_648, 16 : i32
      %broadcast_in_dim3A_650 = vector.broadcast %select_n3A_647 : i32 to vector<16xi32>
      %add3A_651 = arith.constant 0 : i32
      %add3A_652 = arith.addi %mul3A_624, %add3A_651 : i32
      %get3A_653 = arith.index_cast %add3A_652 : i32 to index
      %get3A_654 = arith.index_cast %multiple_of3A_649 : i32 to index
      %get3A_655 = tpu.vector_load %arg6[%get3A_653, %get3A_654] {strides = array<i32>} : memref<64x256xf32, #tpu.memory_space<vmem>>, vector<1x16xf32>,
      %get3A_656 = vector.shape_cast %get3A_655 : vector<1x16xf32> to vector<16xf32>
      %broadcast_in_dim3A_657 = vector.shape_cast %broadcast_in_dim3A_650 : vector<16xi32> to vector<16x1xi32>
      %gather3A_658 = vector.shape_cast %broadcast_in_dim3A_657 : vector<16x1xi32> to vector<16xi32>
      %gather3A_659 = tpu.dynamic_gather %get3A_656[%gather3A_658] in [0] : vector<16xf32>, vector<16xi32> -> vector<16xf32>
      %add3A_660 = arith.constant 1 : i32
      %add3A_661 = arith.addi %mul3A_624, %add3A_660 : i32
      %get3A_662 = arith.index_cast %add3A_661 : i32 to index
      %get3A_663 = arith.index_cast %multiple_of3A_649 : i32 to index
      %get3A_664 = tpu.vector_load %arg6[%get3A_662, %get3A_663] {strides = array<i32>} : memref<64x256xf32, #tpu.memory_space<vmem>>, vector<1x16xf32>,
      %get3A_665 = vector.shape_cast %get3A_664 : vector<1x16xf32> to vector<16xf32>
      %broadcast_in_dim3A_666 = vector.shape_cast %broadcast_in_dim3A_650 : vector<16xi32> to vector<16x1xi32>
      %gather3A_667 = vector.shape_cast %broadcast_in_dim3A_666 : vector<16x1xi32> to vector<16xi32>
      %gather3A_668 = tpu.dynamic_gather %get3A_665[%gather3A_667] in [0] : vector<16xf32>, vector<16xi32> -> vector<16xf32>
      %add3A_669 = arith.constant 2 : i32
      %add3A_670 = arith.addi %mul3A_624, %add3A_669 : i32
      %get3A_671 = arith.index_cast %add3A_670 : i32 to index
      %get3A_672 = arith.index_cast %multiple_of3A_649 : i32 to index
      %get3A_673 = tpu.vector_load %arg6[%get3A_671, %get3A_672] {strides = array<i32>} : memref<64x256xf32, #tpu.memory_space<vmem>>, vector<1x16xf32>,
      %get3A_674 = vector.shape_cast %get3A_673 : vector<1x16xf32> to vector<16xf32>
      %broadcast_in_dim3A_675 = vector.shape_cast %broadcast_in_dim3A_650 : vector<16xi32> to vector<16x1xi32>
      %gather3A_676 = vector.shape_cast %broadcast_in_dim3A_675 : vector<16x1xi32> to vector<16xi32>
      %gather3A_677 = tpu.dynamic_gather %get3A_674[%gather3A_676] in [0] : vector<16xf32>, vector<16xi32> -> vector<16xf32>
      %add3A_678 = arith.constant 3 : i32
      %add3A_679 = arith.addi %mul3A_624, %add3A_678 : i32
      %get3A_680 = arith.index_cast %add3A_679 : i32 to index
      %get3A_681 = arith.index_cast %multiple_of3A_649 : i32 to index
      %get3A_682 = tpu.vector_load %arg6[%get3A_680, %get3A_681] {strides = array<i32>} : memref<64x256xf32, #tpu.memory_space<vmem>>, vector<1x16xf32>,
      %get3A_683 = vector.shape_cast %get3A_682 : vector<1x16xf32> to vector<16xf32>
      %broadcast_in_dim3A_684 = vector.shape_cast %broadcast_in_dim3A_650 : vector<16xi32> to vector<16x1xi32>
      %gather3A_685 = vector.shape_cast %broadcast_in_dim3A_684 : vector<16x1xi32> to vector<16xi32>
      %gather3A_686 = tpu.dynamic_gather %get3A_683[%gather3A_685] in [0] : vector<16xf32>, vector<16xi32> -> vector<16xf32>
      %add3A_687 = arith.constant 4 : i32
      %add3A_688 = arith.addi %mul3A_624, %add3A_687 : i32
      %get3A_689 = arith.index_cast %add3A_688 : i32 to index
      %get3A_690 = arith.index_cast %multiple_of3A_649 : i32 to index
      %get3A_691 = tpu.vector_load %arg6[%get3A_689, %get3A_690] {strides = array<i32>} : memref<64x256xf32, #tpu.memory_space<vmem>>, vector<1x16xf32>,
      %get3A_692 = vector.shape_cast %get3A_691 : vector<1x16xf32> to vector<16xf32>
      %broadcast_in_dim3A_693 = vector.shape_cast %broadcast_in_dim3A_650 : vector<16xi32> to vector<16x1xi32>
      %gather3A_694 = vector.shape_cast %broadcast_in_dim3A_693 : vector<16x1xi32> to vector<16xi32>
      %gather3A_695 = tpu.dynamic_gather %get3A_692[%gather3A_694] in [0] : vector<16xf32>, vector<16xi32> -> vector<16xf32>
      %add3A_696 = arith.constant 5 : i32
      %add3A_697 = arith.addi %mul3A_624, %add3A_696 : i32
      %get3A_698 = arith.index_cast %add3A_697 : i32 to index
      %get3A_699 = arith.index_cast %multiple_of3A_649 : i32 to index
      %get3A_700 = tpu.vector_load %arg6[%get3A_698, %get3A_699] {strides = array<i32>} : memref<64x256xf32, #tpu.memory_space<vmem>>, vector<1x16xf32>,
      %get3A_701 = vector.shape_cast %get3A_700 : vector<1x16xf32> to vector<16xf32>
      %broadcast_in_dim3A_702 = vector.shape_cast %broadcast_in_dim3A_650 : vector<16xi32> to vector<16x1xi32>
      %gather3A_703 = vector.shape_cast %broadcast_in_dim3A_702 : vector<16x1xi32> to vector<16xi32>
      %gather3A_704 = tpu.dynamic_gather %get3A_701[%gather3A_703] in [0] : vector<16xf32>, vector<16xi32> -> vector<16xf32>
      %add3A_705 = arith.constant 6 : i32
      %add3A_706 = arith.addi %mul3A_624, %add3A_705 : i32
      %get3A_707 = arith.index_cast %add3A_706 : i32 to index
      %get3A_708 = arith.index_cast %multiple_of3A_649 : i32 to index
      %get3A_709 = tpu.vector_load %arg6[%get3A_707, %get3A_708] {strides = array<i32>} : memref<64x256xf32, #tpu.memory_space<vmem>>, vector<1x16xf32>,
      %get3A_710 = vector.shape_cast %get3A_709 : vector<1x16xf32> to vector<16xf32>
      %broadcast_in_dim3A_711 = vector.shape_cast %broadcast_in_dim3A_650 : vector<16xi32> to vector<16x1xi32>
      %gather3A_712 = vector.shape_cast %broadcast_in_dim3A_711 : vector<16x1xi32> to vector<16xi32>
      %gather3A_713 = tpu.dynamic_gather %get3A_710[%gather3A_712] in [0] : vector<16xf32>, vector<16xi32> -> vector<16xf32>
      %add3A_714 = arith.constant 7 : i32
      %add3A_715 = arith.addi %mul3A_624, %add3A_714 : i32
      %get3A_716 = arith.index_cast %add3A_715 : i32 to index
      %get3A_717 = arith.index_cast %multiple_of3A_649 : i32 to index
      %get3A_718 = tpu.vector_load %arg6[%get3A_716, %get3A_717] {strides = array<i32>} : memref<64x256xf32, #tpu.memory_space<vmem>>, vector<1x16xf32>,
      %get3A_719 = vector.shape_cast %get3A_718 : vector<1x16xf32> to vector<16xf32>
      %broadcast_in_dim3A_720 = vector.shape_cast %broadcast_in_dim3A_650 : vector<16xi32> to vector<16x1xi32>
      %gather3A_721 = vector.shape_cast %broadcast_in_dim3A_720 : vector<16x1xi32> to vector<16xi32>
      %gather3A_722 = tpu.dynamic_gather %get3A_719[%gather3A_721] in [0] : vector<16xf32>, vector<16xi32> -> vector<16xf32>
      %mul3A_723 = arith.constant 32 : i32
      %mul3A_724 = arith.muli %add3A_579, %mul3A_723 : i32
      %add3A_725 = arith.addi %add3A, %mul3A_724 : i32
      %jit3A_726 = arith.constant 8 : i32
      %div3A_727 = arith.divsi %add3A_725, %jit3A_726 : i32
      %sign3A_728 = arith.constant 0 : i32
      %sign3A_729 = arith.cmpi sgt, %add3A_725, %sign3A_728 : i32
      %sign3A_730 = arith.extui %sign3A_729 : i1 to i32
      %sign3A_731 = arith.constant 0 : i32
      %sign3A_732 = arith.cmpi slt, %add3A_725, %sign3A_731 : i32
      %sign3A_733 = arith.extui %sign3A_732 : i1 to i32
      %sign3A_734 = arith.subi %sign3A_730, %sign3A_733 : i32
      %sign3A_735 = arith.constant 0 : i32
      %sign3A_736 = arith.cmpi sgt, %jit3A_726, %sign3A_735 : i32
      %sign3A_737 = arith.extui %sign3A_736 : i1 to i32
      %sign3A_738 = arith.constant 0 : i32
      %sign3A_739 = arith.cmpi slt, %jit3A_726, %sign3A_738 : i32
      %sign3A_740 = arith.extui %sign3A_739 : i1 to i32
      %sign3A_741 = arith.subi %sign3A_737, %sign3A_740 : i32
      %ne3A_742 = arith.cmpi ne, %sign3A_734, %sign3A_741 : i32
      %rem3A_743 = arith.remsi %add3A_725, %jit3A_726 : i32
      %ne3A_744 = arith.constant 0 : i32
      %ne3A_745 = arith.cmpi ne, %rem3A_743, %ne3A_744 : i32
      %and3A_746 = arith.andi %ne3A_742, %ne3A_745 : i1
      %sub3A_747 = arith.constant 1 : i32
      %sub3A_748 = arith.subi %div3A_727, %sub3A_747 : i32
      %select_n3A_749 = arith.select %and3A_746, %sub3A_748, %div3A_727 : i32
      %jit3A_750 = arith.constant 8 : i32
      %eq3A_751 = arith.constant 0 : i32
      %eq3A_752 = arith.cmpi eq, %jit3A_750, %eq3A_751 : i32
      %jit3A_753 = arith.constant 1 : i32
      %select_n3A_754 = arith.select %eq3A_752, %jit3A_753, %jit3A_750 : i32
      %rem3A_755 = arith.remsi %add3A_725, %select_n3A_754 : i32
      %ne3A_756 = arith.constant 0 : i32
      %ne3A_757 = arith.cmpi ne, %rem3A_755, %ne3A_756 : i32
      %lt3A_758 = arith.constant 0 : i32
      %lt3A_759 = arith.cmpi slt, %rem3A_755, %lt3A_758 : i32
      %lt3A_760 = arith.constant 0 : i32
      %lt3A_761 = arith.cmpi slt, %select_n3A_754, %lt3A_760 : i32
      %ne3A_762 = arith.xori %lt3A_759, %lt3A_761 : i1
      %and3A_763 = arith.andi %ne3A_762, %ne3A_757 : i1
      %add3A_764 = arith.addi %rem3A_755, %select_n3A_754 : i32
      %select_n3A_765 = arith.select %and3A_763, %add3A_764, %rem3A_755 : i32
      %mul3A_766 = arith.constant 8 : i32
      %mul3A_767 = arith.muli %select_n3A_765, %mul3A_766 : i32
      %dma_wait3A_768 = arith.constant 1 : i32
      %dma_wait3A_769 = arith.constant 1 : i32
      %dma_wait3A_770 = arith.constant 0 : i32
      %dma_wait3A_771 = arith.constant 0 : i32
      %dma_wait3A_772 = tpu.memref_slice %arg8[%dma_wait3A_768, %dma_wait3A_770, %dma_wait3A_771] : memref<3x8x4096xf32, #tpu.memory_space<vmem>> -> memref<1x8x4096xf32, #tpu.memory_space<vmem>>
      %dma_wait3A_773 = tpu.memref_squeeze %dma_wait3A_772 : memref<1x8x4096xf32, #tpu.memory_space<vmem>> -> memref<8x4096xf32, #tpu.memory_space<vmem>>
      %dma_wait3A_774 = arith.constant 0 : i32
      %dma_wait3A_775 = tpu.memref_slice %arg2[%select_n3A_749, %mul3A_767, %dma_wait3A_774] : memref<200x64x4096xf32, #tpu.memory_space<hbm>> -> memref<1x8x4096xf32, #tpu.memory_space<hbm>>
      %dma_wait3A_776 = tpu.memref_squeeze %dma_wait3A_775 : memref<1x8x4096xf32, #tpu.memory_space<hbm>> -> memref<8x4096xf32, #tpu.memory_space<hbm>>
      %dma_wait3A_777 = tpu.memref_slice %arg9[%dma_wait3A_769] : memref<3x!tpu.dma_semaphore, #tpu.memory_space<semaphore_mem>> -> memref<1x!tpu.dma_semaphore, #tpu.memory_space<semaphore_mem>>
      %dma_wait3A_778 = tpu.memref_squeeze %dma_wait3A_777 : memref<1x!tpu.dma_semaphore, #tpu.memory_space<semaphore_mem>> -> memref<!tpu.dma_semaphore, #tpu.memory_space<semaphore_mem>>
      %dma_wait3A_779 = arith.constant 0 : i32
      %dma_wait3A_780 = arith.constant 0 : i32
      %dma_wait3A_781 = tpu.memref_slice %arg8[%dma_wait3A_768, %dma_wait3A_779, %dma_wait3A_780] : memref<3x8x4096xf32, #tpu.memory_space<vmem>> -> memref<1x8x4096xf32, #tpu.memory_space<vmem>>
      %dma_wait3A_782 = tpu.memref_squeeze %dma_wait3A_781 : memref<1x8x4096xf32, #tpu.memory_space<vmem>> -> memref<8x4096xf32, #tpu.memory_space<vmem>>
      %dma_wait3A_783 = arith.constant 0 : i32
      %dma_wait3A_784 = tpu.memref_slice %arg2[%select_n3A_749, %mul3A_767, %dma_wait3A_783] : memref<200x64x4096xf32, #tpu.memory_space<hbm>> -> memref<1x8x4096xf32, #tpu.memory_space<hbm>>
      %dma_wait3A_785 = tpu.memref_squeeze %dma_wait3A_784 : memref<1x8x4096xf32, #tpu.memory_space<hbm>> -> memref<8x4096xf32, #tpu.memory_space<hbm>>
      tpu.wait_dma2 semaphore(%dma_wait3A_778 : memref<!tpu.dma_semaphore, #tpu.memory_space<semaphore_mem>>) src(%dma_wait3A_785 : memref<8x4096xf32, #tpu.memory_space<hbm>>) dst(%dma_wait3A_782 : memref<8x4096xf32, #tpu.memory_space<vmem>>)
      %parallel_loop3A_786 = arith.constant 0 : i32
      %parallel_loop3A_787 = arith.constant 256 : i32
      %parallel_loop3A_788 = arith.constant 1 : i32
      scf.for %parallel_loop3A_861 = %parallel_loop3A_786 to %parallel_loop3A_787 step %parallel_loop3A_788  : i32 {
        %parallel_loop3A_862 = arith.constant 16 : i32
        %parallel_loop3A_863 = arith.muli %parallel_loop3A_861, %parallel_loop3A_862 : i32
        %parallel_loop3A_864 = arith.index_cast %parallel_loop3A_863 : i32 to index
        %parallel_loop3A_865 = tpu.vector_load %arg7[%parallel_loop3A_864] {strides = array<i32>} : memref<4096xi32, #tpu.memory_space<vmem>>, vector<16xi32>,
        %parallel_loop3A_866 = vector.shape_cast %parallel_loop3A_865 : vector<16xi32> to vector<16xi32>
        %parallel_loop3A_867 = vector.broadcast %select_n3A_606 : i32 to vector<16xi32>
        %parallel_loop3A_868 = arith.cmpi sgt, %parallel_loop3A_866, %parallel_loop3A_867 : vector<16xi32>
        %parallel_loop3A_869 = arith.constant 0.000000e+00 : f32
        %parallel_loop3A_870 = vector.broadcast %parallel_loop3A_869 : f32 to vector<16xf32>
        %parallel_loop3A_871 = arith.select %parallel_loop3A_868, %gather3A_659, %parallel_loop3A_870 : vector<16xi1>, vector<16xf32>
        %parallel_loop3A_872 = arith.constant 1 : i32
        %parallel_loop3A_873 = arith.constant 0 : i32
        %parallel_loop3A_874 = arith.index_cast %parallel_loop3A_872 : i32 to index
        %parallel_loop3A_875 = arith.index_cast %parallel_loop3A_873 : i32 to index
        %parallel_loop3A_876 = arith.index_cast %parallel_loop3A_863 : i32 to index
        %parallel_loop3A_877 = tpu.vector_load %arg8[%parallel_loop3A_874, %parallel_loop3A_875, %parallel_loop3A_876] {strides = array<i32>} : memref<3x8x4096xf32, #tpu.memory_space<vmem>>, vector<1x1x16xf32>,
        %parallel_loop3A_878 = vector.shape_cast %parallel_loop3A_877 : vector<1x1x16xf32> to vector<16xf32>
        %parallel_loop3A_879 = vector.shape_cast %parallel_loop3A_871 : vector<16xf32> to vector<1x1x16xf32>
        tpu.vector_store %arg8[%parallel_loop3A_874, %parallel_loop3A_875, %parallel_loop3A_876], %parallel_loop3A_879 {add = true, strides = array<i32>} : memref<3x8x4096xf32, #tpu.memory_space<vmem>>, vector<1x1x16xf32>,
        %parallel_loop3A_880 = arith.select %parallel_loop3A_868, %gather3A_668, %parallel_loop3A_870 : vector<16xi1>, vector<16xf32>
        %parallel_loop3A_881 = arith.constant 1 : i32
        %parallel_loop3A_882 = arith.constant 1 : i32
        %parallel_loop3A_883 = arith.index_cast %parallel_loop3A_881 : i32 to index
        %parallel_loop3A_884 = arith.index_cast %parallel_loop3A_882 : i32 to index
        %parallel_loop3A_885 = arith.index_cast %parallel_loop3A_863 : i32 to index
        %parallel_loop3A_886 = tpu.vector_load %arg8[%parallel_loop3A_883, %parallel_loop3A_884, %parallel_loop3A_885] {strides = array<i32>} : memref<3x8x4096xf32, #tpu.memory_space<vmem>>, vector<1x1x16xf32>,
        %parallel_loop3A_887 = vector.shape_cast %parallel_loop3A_886 : vector<1x1x16xf32> to vector<16xf32>
        %parallel_loop3A_888 = vector.shape_cast %parallel_loop3A_880 : vector<16xf32> to vector<1x1x16xf32>
        tpu.vector_store %arg8[%parallel_loop3A_883, %parallel_loop3A_884, %parallel_loop3A_885], %parallel_loop3A_888 {add = true, strides = array<i32>} : memref<3x8x4096xf32, #tpu.memory_space<vmem>>, vector<1x1x16xf32>,
        %parallel_loop3A_889 = arith.select %parallel_loop3A_868, %gather3A_677, %parallel_loop3A_870 : vector<16xi1>, vector<16xf32>
        %parallel_loop3A_890 = arith.constant 1 : i32
        %parallel_loop3A_891 = arith.constant 2 : i32
        %parallel_loop3A_892 = arith.index_cast %parallel_loop3A_890 : i32 to index
        %parallel_loop3A_893 = arith.index_cast %parallel_loop3A_891 : i32 to index
        %parallel_loop3A_894 = arith.index_cast %parallel_loop3A_863 : i32 to index
        %parallel_loop3A_895 = tpu.vector_load %arg8[%parallel_loop3A_892, %parallel_loop3A_893, %parallel_loop3A_894] {strides = array<i32>} : memref<3x8x4096xf32, #tpu.memory_space<vmem>>, vector<1x1x16xf32>,
        %parallel_loop3A_896 = vector.shape_cast %parallel_loop3A_895 : vector<1x1x16xf32> to vector<16xf32>
        %parallel_loop3A_897 = vector.shape_cast %parallel_loop3A_889 : vector<16xf32> to vector<1x1x16xf32>
        tpu.vector_store %arg8[%parallel_loop3A_892, %parallel_loop3A_893, %parallel_loop3A_894], %parallel_loop3A_897 {add = true, strides = array<i32>} : memref<3x8x4096xf32, #tpu.memory_space<vmem>>, vector<1x1x16xf32>,
        %parallel_loop3A_898 = arith.select %parallel_loop3A_868, %gather3A_686, %parallel_loop3A_870 : vector<16xi1>, vector<16xf32>
        %parallel_loop3A_899 = arith.constant 1 : i32
        %parallel_loop3A_900 = arith.constant 3 : i32
        %parallel_loop3A_901 = arith.index_cast %parallel_loop3A_899 : i32 to index
        %parallel_loop3A_902 = arith.index_cast %parallel_loop3A_900 : i32 to index
        %parallel_loop3A_903 = arith.index_cast %parallel_loop3A_863 : i32 to index
        %parallel_loop3A_904 = tpu.vector_load %arg8[%parallel_loop3A_901, %parallel_loop3A_902, %parallel_loop3A_903] {strides = array<i32>} : memref<3x8x4096xf32, #tpu.memory_space<vmem>>, vector<1x1x16xf32>,
        %parallel_loop3A_905 = vector.shape_cast %parallel_loop3A_904 : vector<1x1x16xf32> to vector<16xf32>
        %parallel_loop3A_906 = vector.shape_cast %parallel_loop3A_898 : vector<16xf32> to vector<1x1x16xf32>
        tpu.vector_store %arg8[%parallel_loop3A_901, %parallel_loop3A_902, %parallel_loop3A_903], %parallel_loop3A_906 {add = true, strides = array<i32>} : memref<3x8x4096xf32, #tpu.memory_space<vmem>>, vector<1x1x16xf32>,
        %parallel_loop3A_907 = arith.select %parallel_loop3A_868, %gather3A_695, %parallel_loop3A_870 : vector<16xi1>, vector<16xf32>
        %parallel_loop3A_908 = arith.constant 1 : i32
        %parallel_loop3A_909 = arith.constant 4 : i32
        %parallel_loop3A_910 = arith.index_cast %parallel_loop3A_908 : i32 to index
        %parallel_loop3A_911 = arith.index_cast %parallel_loop3A_909 : i32 to index
        %parallel_loop3A_912 = arith.index_cast %parallel_loop3A_863 : i32 to index
        %parallel_loop3A_913 = tpu.vector_load %arg8[%parallel_loop3A_910, %parallel_loop3A_911, %parallel_loop3A_912] {strides = array<i32>} : memref<3x8x4096xf32, #tpu.memory_space<vmem>>, vector<1x1x16xf32>,
        %parallel_loop3A_914 = vector.shape_cast %parallel_loop3A_913 : vector<1x1x16xf32> to vector<16xf32>
        %parallel_loop3A_915 = vector.shape_cast %parallel_loop3A_907 : vector<16xf32> to vector<1x1x16xf32>
        tpu.vector_store %arg8[%parallel_loop3A_910, %parallel_loop3A_911, %parallel_loop3A_912], %parallel_loop3A_915 {add = true, strides = array<i32>} : memref<3x8x4096xf32, #tpu.memory_space<vmem>>, vector<1x1x16xf32>,
        %parallel_loop3A_916 = arith.select %parallel_loop3A_868, %gather3A_704, %parallel_loop3A_870 : vector<16xi1>, vector<16xf32>
        %parallel_loop3A_917 = arith.constant 1 : i32
        %parallel_loop3A_918 = arith.constant 5 : i32
        %parallel_loop3A_919 = arith.index_cast %parallel_loop3A_917 : i32 to index
        %parallel_loop3A_920 = arith.index_cast %parallel_loop3A_918 : i32 to index
        %parallel_loop3A_921 = arith.index_cast %parallel_loop3A_863 : i32 to index
        %parallel_loop3A_922 = tpu.vector_load %arg8[%parallel_loop3A_919, %parallel_loop3A_920, %parallel_loop3A_921] {strides = array<i32>} : memref<3x8x4096xf32, #tpu.memory_space<vmem>>, vector<1x1x16xf32>,
        %parallel_loop3A_923 = vector.shape_cast %parallel_loop3A_922 : vector<1x1x16xf32> to vector<16xf32>
        %parallel_loop3A_924 = vector.shape_cast %parallel_loop3A_916 : vector<16xf32> to vector<1x1x16xf32>
        tpu.vector_store %arg8[%parallel_loop3A_919, %parallel_loop3A_920, %parallel_loop3A_921], %parallel_loop3A_924 {add = true, strides = array<i32>} : memref<3x8x4096xf32, #tpu.memory_space<vmem>>, vector<1x1x16xf32>,
        %parallel_loop3A_925 = arith.select %parallel_loop3A_868, %gather3A_713, %parallel_loop3A_870 : vector<16xi1>, vector<16xf32>
        %parallel_loop3A_926 = arith.constant 1 : i32
        %parallel_loop3A_927 = arith.constant 6 : i32
        %parallel_loop3A_928 = arith.index_cast %parallel_loop3A_926 : i32 to index
        %parallel_loop3A_929 = arith.index_cast %parallel_loop3A_927 : i32 to index
        %parallel_loop3A_930 = arith.index_cast %parallel_loop3A_863 : i32 to index
        %parallel_loop3A_931 = tpu.vector_load %arg8[%parallel_loop3A_928, %parallel_loop3A_929, %parallel_loop3A_930] {strides = array<i32>} : memref<3x8x4096xf32, #tpu.memory_space<vmem>>, vector<1x1x16xf32>,
        %parallel_loop3A_932 = vector.shape_cast %parallel_loop3A_931 : vector<1x1x16xf32> to vector<16xf32>
        %parallel_loop3A_933 = vector.shape_cast %parallel_loop3A_925 : vector<16xf32> to vector<1x1x16xf32>
        tpu.vector_store %arg8[%parallel_loop3A_928, %parallel_loop3A_929, %parallel_loop3A_930], %parallel_loop3A_933 {add = true, strides = array<i32>} : memref<3x8x4096xf32, #tpu.memory_space<vmem>>, vector<1x1x16xf32>,
        %parallel_loop3A_934 = arith.select %parallel_loop3A_868, %gather3A_722, %parallel_loop3A_870 : vector<16xi1>, vector<16xf32>
        %parallel_loop3A_935 = arith.constant 1 : i32
        %parallel_loop3A_936 = arith.constant 7 : i32
        %parallel_loop3A_937 = arith.index_cast %parallel_loop3A_935 : i32 to index
        %parallel_loop3A_938 = arith.index_cast %parallel_loop3A_936 : i32 to index
        %parallel_loop3A_939 = arith.index_cast %parallel_loop3A_863 : i32 to index
        %parallel_loop3A_940 = tpu.vector_load %arg8[%parallel_loop3A_937, %parallel_loop3A_938, %parallel_loop3A_939] {strides = array<i32>} : memref<3x8x4096xf32, #tpu.memory_space<vmem>>, vector<1x1x16xf32>,
        %parallel_loop3A_941 = vector.shape_cast %parallel_loop3A_940 : vector<1x1x16xf32> to vector<16xf32>
        %parallel_loop3A_942 = vector.shape_cast %parallel_loop3A_934 : vector<16xf32> to vector<1x1x16xf32>
        tpu.vector_store %arg8[%parallel_loop3A_937, %parallel_loop3A_938, %parallel_loop3A_939], %parallel_loop3A_942 {add = true, strides = array<i32>} : memref<3x8x4096xf32, #tpu.memory_space<vmem>>, vector<1x1x16xf32>,
      } {sc.loop_unroll_factor = 4 : i64, sc.parallel_access}
      %mul3A_789 = arith.constant 32 : i32
      %mul3A_790 = arith.muli %add3A_579, %mul3A_789 : i32
      %add3A_791 = arith.addi %add3A, %mul3A_790 : i32
      %jit3A_792 = arith.constant 8 : i32
      %div3A_793 = arith.divsi %add3A_791, %jit3A_792 : i32
      %sign3A_794 = arith.constant 0 : i32
      %sign3A_795 = arith.cmpi sgt, %add3A_791, %sign3A_794 : i32
      %sign3A_796 = arith.extui %sign3A_795 : i1 to i32
      %sign3A_797 = arith.constant 0 : i32
      %sign3A_798 = arith.cmpi slt, %add3A_791, %sign3A_797 : i32
      %sign3A_799 = arith.extui %sign3A_798 : i1 to i32
      %sign3A_800 = arith.subi %sign3A_796, %sign3A_799 : i32
      %sign3A_801 = arith.constant 0 : i32
      %sign3A_802 = arith.cmpi sgt, %jit3A_792, %sign3A_801 : i32
      %sign3A_803 = arith.extui %sign3A_802 : i1 to i32
      %sign3A_804 = arith.constant 0 : i32
      %sign3A_805 = arith.cmpi slt, %jit3A_792, %sign3A_804 : i32
      %sign3A_806 = arith.extui %sign3A_805 : i1 to i32
      %sign3A_807 = arith.subi %sign3A_803, %sign3A_806 : i32
      %ne3A_808 = arith.cmpi ne, %sign3A_800, %sign3A_807 : i32
      %rem3A_809 = arith.remsi %add3A_791, %jit3A_792 : i32
      %ne3A_810 = arith.constant 0 : i32
      %ne3A_811 = arith.cmpi ne, %rem3A_809, %ne3A_810 : i32
      %and3A_812 = arith.andi %ne3A_808, %ne3A_811 : i1
      %sub3A_813 = arith.constant 1 : i32
      %sub3A_814 = arith.subi %div3A_793, %sub3A_813 : i32
      %select_n3A_815 = arith.select %and3A_812, %sub3A_814, %div3A_793 : i32
      %jit3A_816 = arith.constant 8 : i32
      %eq3A_817 = arith.constant 0 : i32
      %eq3A_818 = arith.cmpi eq, %jit3A_816, %eq3A_817 : i32
      %jit3A_819 = arith.constant 1 : i32
      %select_n3A_820 = arith.select %eq3A_818, %jit3A_819, %jit3A_816 : i32
      %rem3A_821 = arith.remsi %add3A_791, %select_n3A_820 : i32
      %ne3A_822 = arith.constant 0 : i32
      %ne3A_823 = arith.cmpi ne, %rem3A_821, %ne3A_822 : i32
      %lt3A_824 = arith.constant 0 : i32
      %lt3A_825 = arith.cmpi slt, %rem3A_821, %lt3A_824 : i32
      %lt3A_826 = arith.constant 0 : i32
      %lt3A_827 = arith.cmpi slt, %select_n3A_820, %lt3A_826 : i32
      %ne3A_828 = arith.xori %lt3A_825, %lt3A_827 : i1
      %and3A_829 = arith.andi %ne3A_828, %ne3A_823 : i1
      %add3A_830 = arith.addi %rem3A_821, %select_n3A_820 : i32
      %select_n3A_831 = arith.select %and3A_829, %add3A_830, %rem3A_821 : i32
      %mul3A_832 = arith.constant 8 : i32
      %mul3A_833 = arith.muli %select_n3A_831, %mul3A_832 : i32
      %dma_start3A_834 = arith.constant 1 : i32
      %dma_start3A_835 = arith.constant 1 : i32
      %dma_start3A_836 = arith.constant 0 : i32
      %dma_start3A_837 = arith.constant 0 : i32
      %dma_start3A_838 = tpu.memref_slice %arg8[%dma_start3A_834, %dma_start3A_836, %dma_start3A_837] : memref<3x8x4096xf32, #tpu.memory_space<vmem>> -> memref<1x8x4096xf32, #tpu.memory_space<vmem>>
      %dma_start3A_839 = tpu.memref_squeeze %dma_start3A_838 : memref<1x8x4096xf32, #tpu.memory_space<vmem>> -> memref<8x4096xf32, #tpu.memory_space<vmem>>
      %dma_start3A_840 = arith.constant 0 : i32
      %dma_start3A_841 = tpu.memref_slice %arg5[%select_n3A_815, %mul3A_833, %dma_start3A_840] : memref<200x64x4096xf32, #tpu.memory_space<hbm>> -> memref<1x8x4096xf32, #tpu.memory_space<hbm>>
      %dma_start3A_842 = tpu.memref_squeeze %dma_start3A_841 : memref<1x8x4096xf32, #tpu.memory_space<hbm>> -> memref<8x4096xf32, #tpu.memory_space<hbm>>
      %dma_start3A_843 = tpu.memref_slice %arg10[%dma_start3A_835] : memref<3x!tpu.dma_semaphore, #tpu.memory_space<semaphore_mem>> -> memref<1x!tpu.dma_semaphore, #tpu.memory_space<semaphore_mem>>
      %dma_start3A_844 = tpu.memref_squeeze %dma_start3A_843 : memref<1x!tpu.dma_semaphore, #tpu.memory_space<semaphore_mem>> -> memref<!tpu.dma_semaphore, #tpu.memory_space<semaphore_mem>>
      %dma_start3A_845 = arith.constant 0 : i32
      %dma_start3A_846 = tpu.memref_slice %arg5[%select_n3A_815, %mul3A_833, %dma_start3A_845] : memref<200x64x4096xf32, #tpu.memory_space<hbm>> -> memref<1x8x4096xf32, #tpu.memory_space<hbm>>
      %dma_start3A_847 = tpu.memref_squeeze %dma_start3A_846 : memref<1x8x4096xf32, #tpu.memory_space<hbm>> -> memref<8x4096xf32, #tpu.memory_space<hbm>>
      %dma_start3A_848 = arith.constant 0 : i32
      %dma_start3A_849 = arith.constant 0 : i32
      %dma_start3A_850 = tpu.memref_slice %arg8[%dma_start3A_834, %dma_start3A_848, %dma_start3A_849] : memref<3x8x4096xf32, #tpu.memory_space<vmem>> -> memref<1x8x4096xf32, #tpu.memory_space<vmem>>
      %dma_start3A_851 = tpu.memref_squeeze %dma_start3A_850 : memref<1x8x4096xf32, #tpu.memory_space<vmem>> -> memref<8x4096xf32, #tpu.memory_space<vmem>>
      tpu.enqueue_dma source(%dma_start3A_851 : memref<8x4096xf32, #tpu.memory_space<vmem>>) target(%dma_start3A_847 : memref<8x4096xf32, #tpu.memory_space<hbm>>) target_semaphore(%dma_start3A_844 : memref<!tpu.dma_semaphore, #tpu.memory_space<semaphore_mem>>)
      %mul3A_852 = arith.constant 3 : i32
      %mul3A_853 = arith.muli %scan3A_242, %mul3A_852 : i32
      %add3A_854 = arith.constant 2 : i32
      %add3A_855 = arith.addi %mul3A_853, %add3A_854 : i32
      %lt3A_856 = arith.constant 16 : i32
      %lt3A_857 = arith.cmpi slt, %scan3A_242, %lt3A_856 : i32
      %convert_element_type3A_858 = arith.extui %lt3A_857 : i1 to i32
      %cond3A_859 = arith.constant 0 : i32
      %cond3A_860 = arith.cmpi ne, %convert_element_type3A_858, %cond3A_859 : i32
      scf.if %cond3A_860 {
        %mul3A_861 = arith.constant 32 : i32
        %mul3A_862 = arith.muli %add3A_855, %mul3A_861 : i32
        %add3A_863 = arith.addi %add3A, %mul3A_862 : i32
        %jit3A_864 = arith.constant 8 : i32
        %div3A_865 = arith.divsi %add3A_863, %jit3A_864 : i32
        %sign3A_866 = arith.constant 0 : i32
        %sign3A_867 = arith.cmpi sgt, %add3A_863, %sign3A_866 : i32
        %sign3A_868 = arith.extui %sign3A_867 : i1 to i32
        %sign3A_869 = arith.constant 0 : i32
        %sign3A_870 = arith.cmpi slt, %add3A_863, %sign3A_869 : i32
        %sign3A_871 = arith.extui %sign3A_870 : i1 to i32
        %sign3A_872 = arith.subi %sign3A_868, %sign3A_871 : i32
        %sign3A_873 = arith.constant 0 : i32
        %sign3A_874 = arith.cmpi sgt, %jit3A_864, %sign3A_873 : i32
        %sign3A_875 = arith.extui %sign3A_874 : i1 to i32
        %sign3A_876 = arith.constant 0 : i32
        %sign3A_877 = arith.cmpi slt, %jit3A_864, %sign3A_876 : i32
        %sign3A_878 = arith.extui %sign3A_877 : i1 to i32
        %sign3A_879 = arith.subi %sign3A_875, %sign3A_878 : i32
        %ne3A_880 = arith.cmpi ne, %sign3A_872, %sign3A_879 : i32
        %rem3A_881 = arith.remsi %add3A_863, %jit3A_864 : i32
        %ne3A_882 = arith.constant 0 : i32
        %ne3A_883 = arith.cmpi ne, %rem3A_881, %ne3A_882 : i32
        %and3A_884 = arith.andi %ne3A_880, %ne3A_883 : i1
        %sub3A_885 = arith.constant 1 : i32
        %sub3A_886 = arith.subi %div3A_865, %sub3A_885 : i32
        %select_n3A_887 = arith.select %and3A_884, %sub3A_886, %div3A_865 : i32
        %jit3A_888 = arith.constant 8 : i32
        %eq3A_889 = arith.constant 0 : i32
        %eq3A_890 = arith.cmpi eq, %jit3A_888, %eq3A_889 : i32
        %jit3A_891 = arith.constant 1 : i32
        %select_n3A_892 = arith.select %eq3A_890, %jit3A_891, %jit3A_888 : i32
        %rem3A_893 = arith.remsi %add3A_863, %select_n3A_892 : i32
        %ne3A_894 = arith.constant 0 : i32
        %ne3A_895 = arith.cmpi ne, %rem3A_893, %ne3A_894 : i32
        %lt3A_896 = arith.constant 0 : i32
        %lt3A_897 = arith.cmpi slt, %rem3A_893, %lt3A_896 : i32
        %lt3A_898 = arith.constant 0 : i32
        %lt3A_899 = arith.cmpi slt, %select_n3A_892, %lt3A_898 : i32
        %ne3A_900 = arith.xori %lt3A_897, %lt3A_899 : i1
        %and3A_901 = arith.andi %ne3A_900, %ne3A_895 : i1
        %add3A_902 = arith.addi %rem3A_893, %select_n3A_892 : i32
        %select_n3A_903 = arith.select %and3A_901, %add3A_902, %rem3A_893 : i32
        %mul3A_904 = arith.constant 8 : i32
        %mul3A_905 = arith.muli %select_n3A_903, %mul3A_904 : i32
        %lt3A_906 = arith.constant 16 : i32
        %lt3A_907 = arith.cmpi slt, %scan3A_242, %lt3A_906 : i32
        %convert_element_type3A_908 = arith.extui %lt3A_907 : i1 to i32
        %cond3A_909 = arith.constant 0 : i32
        %cond3A_910 = arith.cmpi ne, %convert_element_type3A_908, %cond3A_909 : i32
        scf.if %cond3A_910 {
          %sub3A_1133 = arith.constant 2 : i32
          %sub3A_1134 = arith.subi %add3A_855, %sub3A_1133 : i32
          %mul3A_1135 = arith.constant 32 : i32
          %mul3A_1136 = arith.muli %sub3A_1134, %mul3A_1135 : i32
          %add3A_1137 = arith.addi %add3A, %mul3A_1136 : i32
          %jit3A_1138 = arith.constant 8 : i32
          %div3A_1139 = arith.divsi %add3A_1137, %jit3A_1138 : i32
          %sign3A_1140 = arith.constant 0 : i32
          %sign3A_1141 = arith.cmpi sgt, %add3A_1137, %sign3A_1140 : i32
          %sign3A_1142 = arith.extui %sign3A_1141 : i1 to i32
          %sign3A_1143 = arith.constant 0 : i32
          %sign3A_1144 = arith.cmpi slt, %add3A_1137, %sign3A_1143 : i32
          %sign3A_1145 = arith.extui %sign3A_1144 : i1 to i32
          %sign3A_1146 = arith.subi %sign3A_1142, %sign3A_1145 : i32
          %sign3A_1147 = arith.constant 0 : i32
          %sign3A_1148 = arith.cmpi sgt, %jit3A_1138, %sign3A_1147 : i32
          %sign3A_1149 = arith.extui %sign3A_1148 : i1 to i32
          %sign3A_1150 = arith.constant 0 : i32
          %sign3A_1151 = arith.cmpi slt, %jit3A_1138, %sign3A_1150 : i32
          %sign3A_1152 = arith.extui %sign3A_1151 : i1 to i32
          %sign3A_1153 = arith.subi %sign3A_1149, %sign3A_1152 : i32
          %ne3A_1154 = arith.cmpi ne, %sign3A_1146, %sign3A_1153 : i32
          %rem3A_1155 = arith.remsi %add3A_1137, %jit3A_1138 : i32
          %ne3A_1156 = arith.constant 0 : i32
          %ne3A_1157 = arith.cmpi ne, %rem3A_1155, %ne3A_1156 : i32
          %and3A_1158 = arith.andi %ne3A_1154, %ne3A_1157 : i1
          %sub3A_1159 = arith.constant 1 : i32
          %sub3A_1160 = arith.subi %div3A_1139, %sub3A_1159 : i32
          %select_n3A_1161 = arith.select %and3A_1158, %sub3A_1160, %div3A_1139 : i32
          %jit3A_1162 = arith.constant 8 : i32
          %eq3A_1163 = arith.constant 0 : i32
          %eq3A_1164 = arith.cmpi eq, %jit3A_1162, %eq3A_1163 : i32
          %jit3A_1165 = arith.constant 1 : i32
          %select_n3A_1166 = arith.select %eq3A_1164, %jit3A_1165, %jit3A_1162 : i32
          %rem3A_1167 = arith.remsi %add3A_1137, %select_n3A_1166 : i32
          %ne3A_1168 = arith.constant 0 : i32
          %ne3A_1169 = arith.cmpi ne, %rem3A_1167, %ne3A_1168 : i32
          %lt3A_1170 = arith.constant 0 : i32
          %lt3A_1171 = arith.cmpi slt, %rem3A_1167, %lt3A_1170 : i32
          %lt3A_1172 = arith.constant 0 : i32
          %lt3A_1173 = arith.cmpi slt, %select_n3A_1166, %lt3A_1172 : i32
          %ne3A_1174 = arith.xori %lt3A_1171, %lt3A_1173 : i1
          %and3A_1175 = arith.andi %ne3A_1174, %ne3A_1169 : i1
          %add3A_1176 = arith.addi %rem3A_1167, %select_n3A_1166 : i32
          %select_n3A_1177 = arith.select %and3A_1175, %add3A_1176, %rem3A_1167 : i32
          %mul3A_1178 = arith.constant 8 : i32
          %mul3A_1179 = arith.muli %select_n3A_1177, %mul3A_1178 : i32
          %dma_wait3A_1180 = arith.constant 0 : i32
          %dma_wait3A_1181 = arith.constant 0 : i32
          %dma_wait3A_1182 = arith.constant 0 : i32
          %dma_wait3A_1183 = arith.constant 0 : i32
          %dma_wait3A_1184 = tpu.memref_slice %arg8[%dma_wait3A_1180, %dma_wait3A_1182, %dma_wait3A_1183] : memref<3x8x4096xf32, #tpu.memory_space<vmem>> -> memref<1x8x4096xf32, #tpu.memory_space<vmem>>
          %dma_wait3A_1185 = tpu.memref_squeeze %dma_wait3A_1184 : memref<1x8x4096xf32, #tpu.memory_space<vmem>> -> memref<8x4096xf32, #tpu.memory_space<vmem>>
          %dma_wait3A_1186 = arith.constant 0 : i32
          %dma_wait3A_1187 = tpu.memref_slice %arg5[%select_n3A_1161, %mul3A_1179, %dma_wait3A_1186] : memref<200x64x4096xf32, #tpu.memory_space<hbm>> -> memref<1x8x4096xf32, #tpu.memory_space<hbm>>
          %dma_wait3A_1188 = tpu.memref_squeeze %dma_wait3A_1187 : memref<1x8x4096xf32, #tpu.memory_space<hbm>> -> memref<8x4096xf32, #tpu.memory_space<hbm>>
          %dma_wait3A_1189 = tpu.memref_slice %arg10[%dma_wait3A_1181] : memref<3x!tpu.dma_semaphore, #tpu.memory_space<semaphore_mem>> -> memref<1x!tpu.dma_semaphore, #tpu.memory_space<semaphore_mem>>
          %dma_wait3A_1190 = tpu.memref_squeeze %dma_wait3A_1189 : memref<1x!tpu.dma_semaphore, #tpu.memory_space<semaphore_mem>> -> memref<!tpu.dma_semaphore, #tpu.memory_space<semaphore_mem>>
          %dma_wait3A_1191 = arith.constant 0 : i32
          %dma_wait3A_1192 = tpu.memref_slice %arg5[%select_n3A_1161, %mul3A_1179, %dma_wait3A_1191] : memref<200x64x4096xf32, #tpu.memory_space<hbm>> -> memref<1x8x4096xf32, #tpu.memory_space<hbm>>
          %dma_wait3A_1193 = tpu.memref_squeeze %dma_wait3A_1192 : memref<1x8x4096xf32, #tpu.memory_space<hbm>> -> memref<8x4096xf32, #tpu.memory_space<hbm>>
          %dma_wait3A_1194 = arith.constant 0 : i32
          %dma_wait3A_1195 = arith.constant 0 : i32
          %dma_wait3A_1196 = tpu.memref_slice %arg8[%dma_wait3A_1180, %dma_wait3A_1194, %dma_wait3A_1195] : memref<3x8x4096xf32, #tpu.memory_space<vmem>> -> memref<1x8x4096xf32, #tpu.memory_space<vmem>>
          %dma_wait3A_1197 = tpu.memref_squeeze %dma_wait3A_1196 : memref<1x8x4096xf32, #tpu.memory_space<vmem>> -> memref<8x4096xf32, #tpu.memory_space<vmem>>
          tpu.wait_dma2 semaphore(%dma_wait3A_1190 : memref<!tpu.dma_semaphore, #tpu.memory_space<semaphore_mem>>) src(%dma_wait3A_1197 : memref<8x4096xf32, #tpu.memory_space<vmem>>) dst(%dma_wait3A_1193 : memref<8x4096xf32, #tpu.memory_space<hbm>>)
          %add3A_1198 = arith.constant 1 : i32
          %add3A_1199 = arith.addi %add3A_855, %add3A_1198 : i32
          %mul3A_1200 = arith.constant 32 : i32
          %mul3A_1201 = arith.muli %add3A_1199, %mul3A_1200 : i32
          %add3A_1202 = arith.addi %add3A, %mul3A_1201 : i32
          %jit3A_1203 = arith.constant 8 : i32
          %div3A_1204 = arith.divsi %add3A_1202, %jit3A_1203 : i32
          %sign3A_1205 = arith.constant 0 : i32
          %sign3A_1206 = arith.cmpi sgt, %add3A_1202, %sign3A_1205 : i32
          %sign3A_1207 = arith.extui %sign3A_1206 : i1 to i32
          %sign3A_1208 = arith.constant 0 : i32
          %sign3A_1209 = arith.cmpi slt, %add3A_1202, %sign3A_1208 : i32
          %sign3A_1210 = arith.extui %sign3A_1209 : i1 to i32
          %sign3A_1211 = arith.subi %sign3A_1207, %sign3A_1210 : i32
          %sign3A_1212 = arith.constant 0 : i32
          %sign3A_1213 = arith.cmpi sgt, %jit3A_1203, %sign3A_1212 : i32
          %sign3A_1214 = arith.extui %sign3A_1213 : i1 to i32
          %sign3A_1215 = arith.constant 0 : i32
          %sign3A_1216 = arith.cmpi slt, %jit3A_1203, %sign3A_1215 : i32
          %sign3A_1217 = arith.extui %sign3A_1216 : i1 to i32
          %sign3A_1218 = arith.subi %sign3A_1214, %sign3A_1217 : i32
          %ne3A_1219 = arith.cmpi ne, %sign3A_1211, %sign3A_1218 : i32
          %rem3A_1220 = arith.remsi %add3A_1202, %jit3A_1203 : i32
          %ne3A_1221 = arith.constant 0 : i32
          %ne3A_1222 = arith.cmpi ne, %rem3A_1220, %ne3A_1221 : i32
          %and3A_1223 = arith.andi %ne3A_1219, %ne3A_1222 : i1
          %sub3A_1224 = arith.constant 1 : i32
          %sub3A_1225 = arith.subi %div3A_1204, %sub3A_1224 : i32
          %select_n3A_1226 = arith.select %and3A_1223, %sub3A_1225, %div3A_1204 : i32
          %jit3A_1227 = arith.constant 8 : i32
          %eq3A_1228 = arith.constant 0 : i32
          %eq3A_1229 = arith.cmpi eq, %jit3A_1227, %eq3A_1228 : i32
          %jit3A_1230 = arith.constant 1 : i32
          %select_n3A_1231 = arith.select %eq3A_1229, %jit3A_1230, %jit3A_1227 : i32
          %rem3A_1232 = arith.remsi %add3A_1202, %select_n3A_1231 : i32
          %ne3A_1233 = arith.constant 0 : i32
          %ne3A_1234 = arith.cmpi ne, %rem3A_1232, %ne3A_1233 : i32
          %lt3A_1235 = arith.constant 0 : i32
          %lt3A_1236 = arith.cmpi slt, %rem3A_1232, %lt3A_1235 : i32
          %lt3A_1237 = arith.constant 0 : i32
          %lt3A_1238 = arith.cmpi slt, %select_n3A_1231, %lt3A_1237 : i32
          %ne3A_1239 = arith.xori %lt3A_1236, %lt3A_1238 : i1
          %and3A_1240 = arith.andi %ne3A_1239, %ne3A_1234 : i1
          %add3A_1241 = arith.addi %rem3A_1232, %select_n3A_1231 : i32
          %select_n3A_1242 = arith.select %and3A_1240, %add3A_1241, %rem3A_1232 : i32
          %mul3A_1243 = arith.constant 8 : i32
          %mul3A_1244 = arith.muli %select_n3A_1242, %mul3A_1243 : i32
          %dma_start3A_1245 = arith.constant 0 : i32
          %dma_start3A_1246 = arith.constant 0 : i32
          %dma_start3A_1247 = arith.constant 0 : i32
          %dma_start3A_1248 = arith.constant 0 : i32
          %dma_start3A_1249 = tpu.memref_slice %arg8[%dma_start3A_1245, %dma_start3A_1247, %dma_start3A_1248] : memref<3x8x4096xf32, #tpu.memory_space<vmem>> -> memref<1x8x4096xf32, #tpu.memory_space<vmem>>
          %dma_start3A_1250 = tpu.memref_squeeze %dma_start3A_1249 : memref<1x8x4096xf32, #tpu.memory_space<vmem>> -> memref<8x4096xf32, #tpu.memory_space<vmem>>
          %dma_start3A_1251 = arith.constant 0 : i32
          %dma_start3A_1252 = tpu.memref_slice %arg2[%select_n3A_1226, %mul3A_1244, %dma_start3A_1251] : memref<200x64x4096xf32, #tpu.memory_space<hbm>> -> memref<1x8x4096xf32, #tpu.memory_space<hbm>>
          %dma_start3A_1253 = tpu.memref_squeeze %dma_start3A_1252 : memref<1x8x4096xf32, #tpu.memory_space<hbm>> -> memref<8x4096xf32, #tpu.memory_space<hbm>>
          %dma_start3A_1254 = tpu.memref_slice %arg9[%dma_start3A_1246] : memref<3x!tpu.dma_semaphore, #tpu.memory_space<semaphore_mem>> -> memref<1x!tpu.dma_semaphore, #tpu.memory_space<semaphore_mem>>
          %dma_start3A_1255 = tpu.memref_squeeze %dma_start3A_1254 : memref<1x!tpu.dma_semaphore, #tpu.memory_space<semaphore_mem>> -> memref<!tpu.dma_semaphore, #tpu.memory_space<semaphore_mem>>
          %dma_start3A_1256 = arith.constant 0 : i32
          %dma_start3A_1257 = arith.constant 0 : i32
          %dma_start3A_1258 = tpu.memref_slice %arg8[%dma_start3A_1245, %dma_start3A_1256, %dma_start3A_1257] : memref<3x8x4096xf32, #tpu.memory_space<vmem>> -> memref<1x8x4096xf32, #tpu.memory_space<vmem>>
          %dma_start3A_1259 = tpu.memref_squeeze %dma_start3A_1258 : memref<1x8x4096xf32, #tpu.memory_space<vmem>> -> memref<8x4096xf32, #tpu.memory_space<vmem>>
          %dma_start3A_1260 = arith.constant 0 : i32
          %dma_start3A_1261 = tpu.memref_slice %arg2[%select_n3A_1226, %mul3A_1244, %dma_start3A_1260] : memref<200x64x4096xf32, #tpu.memory_space<hbm>> -> memref<1x8x4096xf32, #tpu.memory_space<hbm>>
          %dma_start3A_1262 = tpu.memref_squeeze %dma_start3A_1261 : memref<1x8x4096xf32, #tpu.memory_space<hbm>> -> memref<8x4096xf32, #tpu.memory_space<hbm>>
          tpu.enqueue_dma source(%dma_start3A_1262 : memref<8x4096xf32, #tpu.memory_space<hbm>>) target(%dma_start3A_1259 : memref<8x4096xf32, #tpu.memory_space<vmem>>) target_semaphore(%dma_start3A_1255 : memref<!tpu.dma_semaphore, #tpu.memory_space<semaphore_mem>>)
        } else {
        }
        %add3A_911 = arith.constant 1 : i32
        %add3A_912 = arith.addi %select_n3A_887, %add3A_911 : i32
        %jit3A_913 = arith.constant 16 : i32
        %eq3A_914 = arith.constant 0 : i32
        %eq3A_915 = arith.cmpi eq, %jit3A_913, %eq3A_914 : i32
        %jit3A_916 = arith.constant 1 : i32
        %select_n3A_917 = arith.select %eq3A_915, %jit3A_916, %jit3A_913 : i32
        %rem3A_918 = arith.remsi %add3A_912, %select_n3A_917 : i32
        %ne3A_919 = arith.constant 0 : i32
        %ne3A_920 = arith.cmpi ne, %rem3A_918, %ne3A_919 : i32
        %lt3A_921 = arith.constant 0 : i32
        %lt3A_922 = arith.cmpi slt, %rem3A_918, %lt3A_921 : i32
        %lt3A_923 = arith.constant 0 : i32
        %lt3A_924 = arith.cmpi slt, %select_n3A_917, %lt3A_923 : i32
        %ne3A_925 = arith.xori %lt3A_922, %lt3A_924 : i1
        %and3A_926 = arith.andi %ne3A_925, %ne3A_920 : i1
        %add3A_927 = arith.addi %rem3A_918, %select_n3A_917 : i32
        %select_n3A_928 = arith.select %and3A_926, %add3A_927, %rem3A_918 : i32
        %sub3A_929 = arith.subi %add3A_912, %select_n3A_928 : i32
        %multiple_of3A_930 = tpu.assume_multiple %sub3A_929, 16 : i32
        %broadcast_in_dim3A_931 = vector.broadcast %select_n3A_928 : i32 to vector<16xi32>
        %add3A_932 = arith.constant 0 : i32
        %add3A_933 = arith.addi %mul3A_905, %add3A_932 : i32
        %get3A_934 = arith.index_cast %add3A_933 : i32 to index
        %get3A_935 = arith.index_cast %multiple_of3A_930 : i32 to index
        %get3A_936 = tpu.vector_load %arg6[%get3A_934, %get3A_935] {strides = array<i32>} : memref<64x256xf32, #tpu.memory_space<vmem>>, vector<1x16xf32>,
        %get3A_937 = vector.shape_cast %get3A_936 : vector<1x16xf32> to vector<16xf32>
        %broadcast_in_dim3A_938 = vector.shape_cast %broadcast_in_dim3A_931 : vector<16xi32> to vector<16x1xi32>
        %gather3A_939 = vector.shape_cast %broadcast_in_dim3A_938 : vector<16x1xi32> to vector<16xi32>
        %gather3A_940 = tpu.dynamic_gather %get3A_937[%gather3A_939] in [0] : vector<16xf32>, vector<16xi32> -> vector<16xf32>
        %add3A_941 = arith.constant 1 : i32
        %add3A_942 = arith.addi %mul3A_905, %add3A_941 : i32
        %get3A_943 = arith.index_cast %add3A_942 : i32 to index
        %get3A_944 = arith.index_cast %multiple_of3A_930 : i32 to index
        %get3A_945 = tpu.vector_load %arg6[%get3A_943, %get3A_944] {strides = array<i32>} : memref<64x256xf32, #tpu.memory_space<vmem>>, vector<1x16xf32>,
        %get3A_946 = vector.shape_cast %get3A_945 : vector<1x16xf32> to vector<16xf32>
        %broadcast_in_dim3A_947 = vector.shape_cast %broadcast_in_dim3A_931 : vector<16xi32> to vector<16x1xi32>
        %gather3A_948 = vector.shape_cast %broadcast_in_dim3A_947 : vector<16x1xi32> to vector<16xi32>
        %gather3A_949 = tpu.dynamic_gather %get3A_946[%gather3A_948] in [0] : vector<16xf32>, vector<16xi32> -> vector<16xf32>
        %add3A_950 = arith.constant 2 : i32
        %add3A_951 = arith.addi %mul3A_905, %add3A_950 : i32
        %get3A_952 = arith.index_cast %add3A_951 : i32 to index
        %get3A_953 = arith.index_cast %multiple_of3A_930 : i32 to index
        %get3A_954 = tpu.vector_load %arg6[%get3A_952, %get3A_953] {strides = array<i32>} : memref<64x256xf32, #tpu.memory_space<vmem>>, vector<1x16xf32>,
        %get3A_955 = vector.shape_cast %get3A_954 : vector<1x16xf32> to vector<16xf32>
        %broadcast_in_dim3A_956 = vector.shape_cast %broadcast_in_dim3A_931 : vector<16xi32> to vector<16x1xi32>
        %gather3A_957 = vector.shape_cast %broadcast_in_dim3A_956 : vector<16x1xi32> to vector<16xi32>
        %gather3A_958 = tpu.dynamic_gather %get3A_955[%gather3A_957] in [0] : vector<16xf32>, vector<16xi32> -> vector<16xf32>
        %add3A_959 = arith.constant 3 : i32
        %add3A_960 = arith.addi %mul3A_905, %add3A_959 : i32
        %get3A_961 = arith.index_cast %add3A_960 : i32 to index
        %get3A_962 = arith.index_cast %multiple_of3A_930 : i32 to index
        %get3A_963 = tpu.vector_load %arg6[%get3A_961, %get3A_962] {strides = array<i32>} : memref<64x256xf32, #tpu.memory_space<vmem>>, vector<1x16xf32>,
        %get3A_964 = vector.shape_cast %get3A_963 : vector<1x16xf32> to vector<16xf32>
        %broadcast_in_dim3A_965 = vector.shape_cast %broadcast_in_dim3A_931 : vector<16xi32> to vector<16x1xi32>
        %gather3A_966 = vector.shape_cast %broadcast_in_dim3A_965 : vector<16x1xi32> to vector<16xi32>
        %gather3A_967 = tpu.dynamic_gather %get3A_964[%gather3A_966] in [0] : vector<16xf32>, vector<16xi32> -> vector<16xf32>
        %add3A_968 = arith.constant 4 : i32
        %add3A_969 = arith.addi %mul3A_905, %add3A_968 : i32
        %get3A_970 = arith.index_cast %add3A_969 : i32 to index
        %get3A_971 = arith.index_cast %multiple_of3A_930 : i32 to index
        %get3A_972 = tpu.vector_load %arg6[%get3A_970, %get3A_971] {strides = array<i32>} : memref<64x256xf32, #tpu.memory_space<vmem>>, vector<1x16xf32>,
        %get3A_973 = vector.shape_cast %get3A_972 : vector<1x16xf32> to vector<16xf32>
        %broadcast_in_dim3A_974 = vector.shape_cast %broadcast_in_dim3A_931 : vector<16xi32> to vector<16x1xi32>
        %gather3A_975 = vector.shape_cast %broadcast_in_dim3A_974 : vector<16x1xi32> to vector<16xi32>
        %gather3A_976 = tpu.dynamic_gather %get3A_973[%gather3A_975] in [0] : vector<16xf32>, vector<16xi32> -> vector<16xf32>
        %add3A_977 = arith.constant 5 : i32
        %add3A_978 = arith.addi %mul3A_905, %add3A_977 : i32
        %get3A_979 = arith.index_cast %add3A_978 : i32 to index
        %get3A_980 = arith.index_cast %multiple_of3A_930 : i32 to index
        %get3A_981 = tpu.vector_load %arg6[%get3A_979, %get3A_980] {strides = array<i32>} : memref<64x256xf32, #tpu.memory_space<vmem>>, vector<1x16xf32>,
        %get3A_982 = vector.shape_cast %get3A_981 : vector<1x16xf32> to vector<16xf32>
        %broadcast_in_dim3A_983 = vector.shape_cast %broadcast_in_dim3A_931 : vector<16xi32> to vector<16x1xi32>
        %gather3A_984 = vector.shape_cast %broadcast_in_dim3A_983 : vector<16x1xi32> to vector<16xi32>
        %gather3A_985 = tpu.dynamic_gather %get3A_982[%gather3A_984] in [0] : vector<16xf32>, vector<16xi32> -> vector<16xf32>
        %add3A_986 = arith.constant 6 : i32
        %add3A_987 = arith.addi %mul3A_905, %add3A_986 : i32
        %get3A_988 = arith.index_cast %add3A_987 : i32 to index
        %get3A_989 = arith.index_cast %multiple_of3A_930 : i32 to index
        %get3A_990 = tpu.vector_load %arg6[%get3A_988, %get3A_989] {strides = array<i32>} : memref<64x256xf32, #tpu.memory_space<vmem>>, vector<1x16xf32>,
        %get3A_991 = vector.shape_cast %get3A_990 : vector<1x16xf32> to vector<16xf32>
        %broadcast_in_dim3A_992 = vector.shape_cast %broadcast_in_dim3A_931 : vector<16xi32> to vector<16x1xi32>
        %gather3A_993 = vector.shape_cast %broadcast_in_dim3A_992 : vector<16x1xi32> to vector<16xi32>
        %gather3A_994 = tpu.dynamic_gather %get3A_991[%gather3A_993] in [0] : vector<16xf32>, vector<16xi32> -> vector<16xf32>
        %add3A_995 = arith.constant 7 : i32
        %add3A_996 = arith.addi %mul3A_905, %add3A_995 : i32
        %get3A_997 = arith.index_cast %add3A_996 : i32 to index
        %get3A_998 = arith.index_cast %multiple_of3A_930 : i32 to index
        %get3A_999 = tpu.vector_load %arg6[%get3A_997, %get3A_998] {strides = array<i32>} : memref<64x256xf32, #tpu.memory_space<vmem>>, vector<1x16xf32>,
        %get3A_1000 = vector.shape_cast %get3A_999 : vector<1x16xf32> to vector<16xf32>
        %broadcast_in_dim3A_1001 = vector.shape_cast %broadcast_in_dim3A_931 : vector<16xi32> to vector<16x1xi32>
        %gather3A_1002 = vector.shape_cast %broadcast_in_dim3A_1001 : vector<16x1xi32> to vector<16xi32>
        %gather3A_1003 = tpu.dynamic_gather %get3A_1000[%gather3A_1002] in [0] : vector<16xf32>, vector<16xi32> -> vector<16xf32>
        %mul3A_1004 = arith.constant 32 : i32
        %mul3A_1005 = arith.muli %add3A_855, %mul3A_1004 : i32
        %add3A_1006 = arith.addi %add3A, %mul3A_1005 : i32
        %jit3A_1007 = arith.constant 8 : i32
        %div3A_1008 = arith.divsi %add3A_1006, %jit3A_1007 : i32
        %sign3A_1009 = arith.constant 0 : i32
        %sign3A_1010 = arith.cmpi sgt, %add3A_1006, %sign3A_1009 : i32
        %sign3A_1011 = arith.extui %sign3A_1010 : i1 to i32
        %sign3A_1012 = arith.constant 0 : i32
        %sign3A_1013 = arith.cmpi slt, %add3A_1006, %sign3A_1012 : i32
        %sign3A_1014 = arith.extui %sign3A_1013 : i1 to i32
        %sign3A_1015 = arith.subi %sign3A_1011, %sign3A_1014 : i32
        %sign3A_1016 = arith.constant 0 : i32
        %sign3A_1017 = arith.cmpi sgt, %jit3A_1007, %sign3A_1016 : i32
        %sign3A_1018 = arith.extui %sign3A_1017 : i1 to i32
        %sign3A_1019 = arith.constant 0 : i32
        %sign3A_1020 = arith.cmpi slt, %jit3A_1007, %sign3A_1019 : i32
        %sign3A_1021 = arith.extui %sign3A_1020 : i1 to i32
        %sign3A_1022 = arith.subi %sign3A_1018, %sign3A_1021 : i32
        %ne3A_1023 = arith.cmpi ne, %sign3A_1015, %sign3A_1022 : i32
        %rem3A_1024 = arith.remsi %add3A_1006, %jit3A_1007 : i32
        %ne3A_1025 = arith.constant 0 : i32
        %ne3A_1026 = arith.cmpi ne, %rem3A_1024, %ne3A_1025 : i32
        %and3A_1027 = arith.andi %ne3A_1023, %ne3A_1026 : i1
        %sub3A_1028 = arith.constant 1 : i32
        %sub3A_1029 = arith.subi %div3A_1008, %sub3A_1028 : i32
        %select_n3A_1030 = arith.select %and3A_1027, %sub3A_1029, %div3A_1008 : i32
        %jit3A_1031 = arith.constant 8 : i32
        %eq3A_1032 = arith.constant 0 : i32
        %eq3A_1033 = arith.cmpi eq, %jit3A_1031, %eq3A_1032 : i32
        %jit3A_1034 = arith.constant 1 : i32
        %select_n3A_1035 = arith.select %eq3A_1033, %jit3A_1034, %jit3A_1031 : i32
        %rem3A_1036 = arith.remsi %add3A_1006, %select_n3A_1035 : i32
        %ne3A_1037 = arith.constant 0 : i32
        %ne3A_1038 = arith.cmpi ne, %rem3A_1036, %ne3A_1037 : i32
        %lt3A_1039 = arith.constant 0 : i32
        %lt3A_1040 = arith.cmpi slt, %rem3A_1036, %lt3A_1039 : i32
        %lt3A_1041 = arith.constant 0 : i32
        %lt3A_1042 = arith.cmpi slt, %select_n3A_1035, %lt3A_1041 : i32
        %ne3A_1043 = arith.xori %lt3A_1040, %lt3A_1042 : i1
        %and3A_1044 = arith.andi %ne3A_1043, %ne3A_1038 : i1
        %add3A_1045 = arith.addi %rem3A_1036, %select_n3A_1035 : i32
        %select_n3A_1046 = arith.select %and3A_1044, %add3A_1045, %rem3A_1036 : i32
        %mul3A_1047 = arith.constant 8 : i32
        %mul3A_1048 = arith.muli %select_n3A_1046, %mul3A_1047 : i32
        %dma_wait3A_1049 = arith.constant 2 : i32
        %dma_wait3A_1050 = arith.constant 2 : i32
        %dma_wait3A_1051 = arith.constant 0 : i32
        %dma_wait3A_1052 = arith.constant 0 : i32
        %dma_wait3A_1053 = tpu.memref_slice %arg8[%dma_wait3A_1049, %dma_wait3A_1051, %dma_wait3A_1052] : memref<3x8x4096xf32, #tpu.memory_space<vmem>> -> memref<1x8x4096xf32, #tpu.memory_space<vmem>>
        %dma_wait3A_1054 = tpu.memref_squeeze %dma_wait3A_1053 : memref<1x8x4096xf32, #tpu.memory_space<vmem>> -> memref<8x4096xf32, #tpu.memory_space<vmem>>
        %dma_wait3A_1055 = arith.constant 0 : i32
        %dma_wait3A_1056 = tpu.memref_slice %arg2[%select_n3A_1030, %mul3A_1048, %dma_wait3A_1055] : memref<200x64x4096xf32, #tpu.memory_space<hbm>> -> memref<1x8x4096xf32, #tpu.memory_space<hbm>>
        %dma_wait3A_1057 = tpu.memref_squeeze %dma_wait3A_1056 : memref<1x8x4096xf32, #tpu.memory_space<hbm>> -> memref<8x4096xf32, #tpu.memory_space<hbm>>
        %dma_wait3A_1058 = tpu.memref_slice %arg9[%dma_wait3A_1050] : memref<3x!tpu.dma_semaphore, #tpu.memory_space<semaphore_mem>> -> memref<1x!tpu.dma_semaphore, #tpu.memory_space<semaphore_mem>>
        %dma_wait3A_1059 = tpu.memref_squeeze %dma_wait3A_1058 : memref<1x!tpu.dma_semaphore, #tpu.memory_space<semaphore_mem>> -> memref<!tpu.dma_semaphore, #tpu.memory_space<semaphore_mem>>
        %dma_wait3A_1060 = arith.constant 0 : i32
        %dma_wait3A_1061 = arith.constant 0 : i32
        %dma_wait3A_1062 = tpu.memref_slice %arg8[%dma_wait3A_1049, %dma_wait3A_1060, %dma_wait3A_1061] : memref<3x8x4096xf32, #tpu.memory_space<vmem>> -> memref<1x8x4096xf32, #tpu.memory_space<vmem>>
        %dma_wait3A_1063 = tpu.memref_squeeze %dma_wait3A_1062 : memref<1x8x4096xf32, #tpu.memory_space<vmem>> -> memref<8x4096xf32, #tpu.memory_space<vmem>>
        %dma_wait3A_1064 = arith.constant 0 : i32
        %dma_wait3A_1065 = tpu.memref_slice %arg2[%select_n3A_1030, %mul3A_1048, %dma_wait3A_1064] : memref<200x64x4096xf32, #tpu.memory_space<hbm>> -> memref<1x8x4096xf32, #tpu.memory_space<hbm>>
        %dma_wait3A_1066 = tpu.memref_squeeze %dma_wait3A_1065 : memref<1x8x4096xf32, #tpu.memory_space<hbm>> -> memref<8x4096xf32, #tpu.memory_space<hbm>>
        tpu.wait_dma2 semaphore(%dma_wait3A_1059 : memref<!tpu.dma_semaphore, #tpu.memory_space<semaphore_mem>>) src(%dma_wait3A_1066 : memref<8x4096xf32, #tpu.memory_space<hbm>>) dst(%dma_wait3A_1063 : memref<8x4096xf32, #tpu.memory_space<vmem>>)
        %parallel_loop3A_1067 = arith.constant 0 : i32
        %parallel_loop3A_1068 = arith.constant 256 : i32
        %parallel_loop3A_1069 = arith.constant 1 : i32
        scf.for %parallel_loop3A_1133 = %parallel_loop3A_1067 to %parallel_loop3A_1068 step %parallel_loop3A_1069  : i32 {
          %parallel_loop3A_1134 = arith.constant 16 : i32
          %parallel_loop3A_1135 = arith.muli %parallel_loop3A_1133, %parallel_loop3A_1134 : i32
          %parallel_loop3A_1136 = arith.index_cast %parallel_loop3A_1135 : i32 to index
          %parallel_loop3A_1137 = tpu.vector_load %arg7[%parallel_loop3A_1136] {strides = array<i32>} : memref<4096xi32, #tpu.memory_space<vmem>>, vector<16xi32>,
          %parallel_loop3A_1138 = vector.shape_cast %parallel_loop3A_1137 : vector<16xi32> to vector<16xi32>
          %parallel_loop3A_1139 = vector.broadcast %select_n3A_887 : i32 to vector<16xi32>
          %parallel_loop3A_1140 = arith.cmpi sgt, %parallel_loop3A_1138, %parallel_loop3A_1139 : vector<16xi32>
          %parallel_loop3A_1141 = arith.constant 0.000000e+00 : f32
          %parallel_loop3A_1142 = vector.broadcast %parallel_loop3A_1141 : f32 to vector<16xf32>
          %parallel_loop3A_1143 = arith.select %parallel_loop3A_1140, %gather3A_940, %parallel_loop3A_1142 : vector<16xi1>, vector<16xf32>
          %parallel_loop3A_1144 = arith.constant 2 : i32
          %parallel_loop3A_1145 = arith.constant 0 : i32
          %parallel_loop3A_1146 = arith.index_cast %parallel_loop3A_1144 : i32 to index
          %parallel_loop3A_1147 = arith.index_cast %parallel_loop3A_1145 : i32 to index
          %parallel_loop3A_1148 = arith.index_cast %parallel_loop3A_1135 : i32 to index
          %parallel_loop3A_1149 = tpu.vector_load %arg8[%parallel_loop3A_1146, %parallel_loop3A_1147, %parallel_loop3A_1148] {strides = array<i32>} : memref<3x8x4096xf32, #tpu.memory_space<vmem>>, vector<1x1x16xf32>,
          %parallel_loop3A_1150 = vector.shape_cast %parallel_loop3A_1149 : vector<1x1x16xf32> to vector<16xf32>
          %parallel_loop3A_1151 = vector.shape_cast %parallel_loop3A_1143 : vector<16xf32> to vector<1x1x16xf32>
          tpu.vector_store %arg8[%parallel_loop3A_1146, %parallel_loop3A_1147, %parallel_loop3A_1148], %parallel_loop3A_1151 {add = true, strides = array<i32>} : memref<3x8x4096xf32, #tpu.memory_space<vmem>>, vector<1x1x16xf32>,
          %parallel_loop3A_1152 = arith.select %parallel_loop3A_1140, %gather3A_949, %parallel_loop3A_1142 : vector<16xi1>, vector<16xf32>
          %parallel_loop3A_1153 = arith.constant 2 : i32
          %parallel_loop3A_1154 = arith.constant 1 : i32
          %parallel_loop3A_1155 = arith.index_cast %parallel_loop3A_1153 : i32 to index
          %parallel_loop3A_1156 = arith.index_cast %parallel_loop3A_1154 : i32 to index
          %parallel_loop3A_1157 = arith.index_cast %parallel_loop3A_1135 : i32 to index
          %parallel_loop3A_1158 = tpu.vector_load %arg8[%parallel_loop3A_1155, %parallel_loop3A_1156, %parallel_loop3A_1157] {strides = array<i32>} : memref<3x8x4096xf32, #tpu.memory_space<vmem>>, vector<1x1x16xf32>,
          %parallel_loop3A_1159 = vector.shape_cast %parallel_loop3A_1158 : vector<1x1x16xf32> to vector<16xf32>
          %parallel_loop3A_1160 = vector.shape_cast %parallel_loop3A_1152 : vector<16xf32> to vector<1x1x16xf32>
          tpu.vector_store %arg8[%parallel_loop3A_1155, %parallel_loop3A_1156, %parallel_loop3A_1157], %parallel_loop3A_1160 {add = true, strides = array<i32>} : memref<3x8x4096xf32, #tpu.memory_space<vmem>>, vector<1x1x16xf32>,
          %parallel_loop3A_1161 = arith.select %parallel_loop3A_1140, %gather3A_958, %parallel_loop3A_1142 : vector<16xi1>, vector<16xf32>
          %parallel_loop3A_1162 = arith.constant 2 : i32
          %parallel_loop3A_1163 = arith.constant 2 : i32
          %parallel_loop3A_1164 = arith.index_cast %parallel_loop3A_1162 : i32 to index
          %parallel_loop3A_1165 = arith.index_cast %parallel_loop3A_1163 : i32 to index
          %parallel_loop3A_1166 = arith.index_cast %parallel_loop3A_1135 : i32 to index
          %parallel_loop3A_1167 = tpu.vector_load %arg8[%parallel_loop3A_1164, %parallel_loop3A_1165, %parallel_loop3A_1166] {strides = array<i32>} : memref<3x8x4096xf32, #tpu.memory_space<vmem>>, vector<1x1x16xf32>,
          %parallel_loop3A_1168 = vector.shape_cast %parallel_loop3A_1167 : vector<1x1x16xf32> to vector<16xf32>
          %parallel_loop3A_1169 = vector.shape_cast %parallel_loop3A_1161 : vector<16xf32> to vector<1x1x16xf32>
          tpu.vector_store %arg8[%parallel_loop3A_1164, %parallel_loop3A_1165, %parallel_loop3A_1166], %parallel_loop3A_1169 {add = true, strides = array<i32>} : memref<3x8x4096xf32, #tpu.memory_space<vmem>>, vector<1x1x16xf32>,
          %parallel_loop3A_1170 = arith.select %parallel_loop3A_1140, %gather3A_967, %parallel_loop3A_1142 : vector<16xi1>, vector<16xf32>
          %parallel_loop3A_1171 = arith.constant 2 : i32
          %parallel_loop3A_1172 = arith.constant 3 : i32
          %parallel_loop3A_1173 = arith.index_cast %parallel_loop3A_1171 : i32 to index
          %parallel_loop3A_1174 = arith.index_cast %parallel_loop3A_1172 : i32 to index
          %parallel_loop3A_1175 = arith.index_cast %parallel_loop3A_1135 : i32 to index
          %parallel_loop3A_1176 = tpu.vector_load %arg8[%parallel_loop3A_1173, %parallel_loop3A_1174, %parallel_loop3A_1175] {strides = array<i32>} : memref<3x8x4096xf32, #tpu.memory_space<vmem>>, vector<1x1x16xf32>,
          %parallel_loop3A_1177 = vector.shape_cast %parallel_loop3A_1176 : vector<1x1x16xf32> to vector<16xf32>
          %parallel_loop3A_1178 = vector.shape_cast %parallel_loop3A_1170 : vector<16xf32> to vector<1x1x16xf32>
          tpu.vector_store %arg8[%parallel_loop3A_1173, %parallel_loop3A_1174, %parallel_loop3A_1175], %parallel_loop3A_1178 {add = true, strides = array<i32>} : memref<3x8x4096xf32, #tpu.memory_space<vmem>>, vector<1x1x16xf32>,
          %parallel_loop3A_1179 = arith.select %parallel_loop3A_1140, %gather3A_976, %parallel_loop3A_1142 : vector<16xi1>, vector<16xf32>
          %parallel_loop3A_1180 = arith.constant 2 : i32
          %parallel_loop3A_1181 = arith.constant 4 : i32
          %parallel_loop3A_1182 = arith.index_cast %parallel_loop3A_1180 : i32 to index
          %parallel_loop3A_1183 = arith.index_cast %parallel_loop3A_1181 : i32 to index
          %parallel_loop3A_1184 = arith.index_cast %parallel_loop3A_1135 : i32 to index
          %parallel_loop3A_1185 = tpu.vector_load %arg8[%parallel_loop3A_1182, %parallel_loop3A_1183, %parallel_loop3A_1184] {strides = array<i32>} : memref<3x8x4096xf32, #tpu.memory_space<vmem>>, vector<1x1x16xf32>,
          %parallel_loop3A_1186 = vector.shape_cast %parallel_loop3A_1185 : vector<1x1x16xf32> to vector<16xf32>
          %parallel_loop3A_1187 = vector.shape_cast %parallel_loop3A_1179 : vector<16xf32> to vector<1x1x16xf32>
          tpu.vector_store %arg8[%parallel_loop3A_1182, %parallel_loop3A_1183, %parallel_loop3A_1184], %parallel_loop3A_1187 {add = true, strides = array<i32>} : memref<3x8x4096xf32, #tpu.memory_space<vmem>>, vector<1x1x16xf32>,
          %parallel_loop3A_1188 = arith.select %parallel_loop3A_1140, %gather3A_985, %parallel_loop3A_1142 : vector<16xi1>, vector<16xf32>
          %parallel_loop3A_1189 = arith.constant 2 : i32
          %parallel_loop3A_1190 = arith.constant 5 : i32
          %parallel_loop3A_1191 = arith.index_cast %parallel_loop3A_1189 : i32 to index
          %parallel_loop3A_1192 = arith.index_cast %parallel_loop3A_1190 : i32 to index
          %parallel_loop3A_1193 = arith.index_cast %parallel_loop3A_1135 : i32 to index
          %parallel_loop3A_1194 = tpu.vector_load %arg8[%parallel_loop3A_1191, %parallel_loop3A_1192, %parallel_loop3A_1193] {strides = array<i32>} : memref<3x8x4096xf32, #tpu.memory_space<vmem>>, vector<1x1x16xf32>,
          %parallel_loop3A_1195 = vector.shape_cast %parallel_loop3A_1194 : vector<1x1x16xf32> to vector<16xf32>
          %parallel_loop3A_1196 = vector.shape_cast %parallel_loop3A_1188 : vector<16xf32> to vector<1x1x16xf32>
          tpu.vector_store %arg8[%parallel_loop3A_1191, %parallel_loop3A_1192, %parallel_loop3A_1193], %parallel_loop3A_1196 {add = true, strides = array<i32>} : memref<3x8x4096xf32, #tpu.memory_space<vmem>>, vector<1x1x16xf32>,
          %parallel_loop3A_1197 = arith.select %parallel_loop3A_1140, %gather3A_994, %parallel_loop3A_1142 : vector<16xi1>, vector<16xf32>
          %parallel_loop3A_1198 = arith.constant 2 : i32
          %parallel_loop3A_1199 = arith.constant 6 : i32
          %parallel_loop3A_1200 = arith.index_cast %parallel_loop3A_1198 : i32 to index
          %parallel_loop3A_1201 = arith.index_cast %parallel_loop3A_1199 : i32 to index
          %parallel_loop3A_1202 = arith.index_cast %parallel_loop3A_1135 : i32 to index
          %parallel_loop3A_1203 = tpu.vector_load %arg8[%parallel_loop3A_1200, %parallel_loop3A_1201, %parallel_loop3A_1202] {strides = array<i32>} : memref<3x8x4096xf32, #tpu.memory_space<vmem>>, vector<1x1x16xf32>,
          %parallel_loop3A_1204 = vector.shape_cast %parallel_loop3A_1203 : vector<1x1x16xf32> to vector<16xf32>
          %parallel_loop3A_1205 = vector.shape_cast %parallel_loop3A_1197 : vector<16xf32> to vector<1x1x16xf32>
          tpu.vector_store %arg8[%parallel_loop3A_1200, %parallel_loop3A_1201, %parallel_loop3A_1202], %parallel_loop3A_1205 {add = true, strides = array<i32>} : memref<3x8x4096xf32, #tpu.memory_space<vmem>>, vector<1x1x16xf32>,
          %parallel_loop3A_1206 = arith.select %parallel_loop3A_1140, %gather3A_1003, %parallel_loop3A_1142 : vector<16xi1>, vector<16xf32>
          %parallel_loop3A_1207 = arith.constant 2 : i32
          %parallel_loop3A_1208 = arith.constant 7 : i32
          %parallel_loop3A_1209 = arith.index_cast %parallel_loop3A_1207 : i32 to index
          %parallel_loop3A_1210 = arith.index_cast %parallel_loop3A_1208 : i32 to index
          %parallel_loop3A_1211 = arith.index_cast %parallel_loop3A_1135 : i32 to index
          %parallel_loop3A_1212 = tpu.vector_load %arg8[%parallel_loop3A_1209, %parallel_loop3A_1210, %parallel_loop3A_1211] {strides = array<i32>} : memref<3x8x4096xf32, #tpu.memory_space<vmem>>, vector<1x1x16xf32>,
          %parallel_loop3A_1213 = vector.shape_cast %parallel_loop3A_1212 : vector<1x1x16xf32> to vector<16xf32>
          %parallel_loop3A_1214 = vector.shape_cast %parallel_loop3A_1206 : vector<16xf32> to vector<1x1x16xf32>
          tpu.vector_store %arg8[%parallel_loop3A_1209, %parallel_loop3A_1210, %parallel_loop3A_1211], %parallel_loop3A_1214 {add = true, strides = array<i32>} : memref<3x8x4096xf32, #tpu.memory_space<vmem>>, vector<1x1x16xf32>,
        } {sc.loop_unroll_factor = 4 : i64, sc.parallel_access}
        %mul3A_1070 = arith.constant 32 : i32
        %mul3A_1071 = arith.muli %add3A_855, %mul3A_1070 : i32
        %add3A_1072 = arith.addi %add3A, %mul3A_1071 : i32
        %jit3A_1073 = arith.constant 8 : i32
        %div3A_1074 = arith.divsi %add3A_1072, %jit3A_1073 : i32
        %sign3A_1075 = arith.constant 0 : i32
        %sign3A_1076 = arith.cmpi sgt, %add3A_1072, %sign3A_1075 : i32
        %sign3A_1077 = arith.extui %sign3A_1076 : i1 to i32
        %sign3A_1078 = arith.constant 0 : i32
        %sign3A_1079 = arith.cmpi slt, %add3A_1072, %sign3A_1078 : i32
        %sign3A_1080 = arith.extui %sign3A_1079 : i1 to i32
        %sign3A_1081 = arith.subi %sign3A_1077, %sign3A_1080 : i32
        %sign3A_1082 = arith.constant 0 : i32
        %sign3A_1083 = arith.cmpi sgt, %jit3A_1073, %sign3A_1082 : i32
        %sign3A_1084 = arith.extui %sign3A_1083 : i1 to i32
        %sign3A_1085 = arith.constant 0 : i32
        %sign3A_1086 = arith.cmpi slt, %jit3A_1073, %sign3A_1085 : i32
        %sign3A_1087 = arith.extui %sign3A_1086 : i1 to i32
        %sign3A_1088 = arith.subi %sign3A_1084, %sign3A_1087 : i32
        %ne3A_1089 = arith.cmpi ne, %sign3A_1081, %sign3A_1088 : i32
        %rem3A_1090 = arith.remsi %add3A_1072, %jit3A_1073 : i32
        %ne3A_1091 = arith.constant 0 : i32
        %ne3A_1092 = arith.cmpi ne, %rem3A_1090, %ne3A_1091 : i32
        %and3A_1093 = arith.andi %ne3A_1089, %ne3A_1092 : i1
        %sub3A_1094 = arith.constant 1 : i32
        %sub3A_1095 = arith.subi %div3A_1074, %sub3A_1094 : i32
        %select_n3A_1096 = arith.select %and3A_1093, %sub3A_1095, %div3A_1074 : i32
        %jit3A_1097 = arith.constant 8 : i32
        %eq3A_1098 = arith.constant 0 : i32
        %eq3A_1099 = arith.cmpi eq, %jit3A_1097, %eq3A_1098 : i32
        %jit3A_1100 = arith.constant 1 : i32
        %select_n3A_1101 = arith.select %eq3A_1099, %jit3A_1100, %jit3A_1097 : i32
        %rem3A_1102 = arith.remsi %add3A_1072, %select_n3A_1101 : i32
        %ne3A_1103 = arith.constant 0 : i32
        %ne3A_1104 = arith.cmpi ne, %rem3A_1102, %ne3A_1103 : i32
        %lt3A_1105 = arith.constant 0 : i32
        %lt3A_1106 = arith.cmpi slt, %rem3A_1102, %lt3A_1105 : i32
        %lt3A_1107 = arith.constant 0 : i32
        %lt3A_1108 = arith.cmpi slt, %select_n3A_1101, %lt3A_1107 : i32
        %ne3A_1109 = arith.xori %lt3A_1106, %lt3A_1108 : i1
        %and3A_1110 = arith.andi %ne3A_1109, %ne3A_1104 : i1
        %add3A_1111 = arith.addi %rem3A_1102, %select_n3A_1101 : i32
        %select_n3A_1112 = arith.select %and3A_1110, %add3A_1111, %rem3A_1102 : i32
        %mul3A_1113 = arith.constant 8 : i32
        %mul3A_1114 = arith.muli %select_n3A_1112, %mul3A_1113 : i32
        %dma_start3A_1115 = arith.constant 2 : i32
        %dma_start3A_1116 = arith.constant 2 : i32
        %dma_start3A_1117 = arith.constant 0 : i32
        %dma_start3A_1118 = arith.constant 0 : i32
        %dma_start3A_1119 = tpu.memref_slice %arg8[%dma_start3A_1115, %dma_start3A_1117, %dma_start3A_1118] : memref<3x8x4096xf32, #tpu.memory_space<vmem>> -> memref<1x8x4096xf32, #tpu.memory_space<vmem>>
        %dma_start3A_1120 = tpu.memref_squeeze %dma_start3A_1119 : memref<1x8x4096xf32, #tpu.memory_space<vmem>> -> memref<8x4096xf32, #tpu.memory_space<vmem>>
        %dma_start3A_1121 = arith.constant 0 : i32
        %dma_start3A_1122 = tpu.memref_slice %arg5[%select_n3A_1096, %mul3A_1114, %dma_start3A_1121] : memref<200x64x4096xf32, #tpu.memory_space<hbm>> -> memref<1x8x4096xf32, #tpu.memory_space<hbm>>
        %dma_start3A_1123 = tpu.memref_squeeze %dma_start3A_1122 : memref<1x8x4096xf32, #tpu.memory_space<hbm>> -> memref<8x4096xf32, #tpu.memory_space<hbm>>
        %dma_start3A_1124 = tpu.memref_slice %arg10[%dma_start3A_1116] : memref<3x!tpu.dma_semaphore, #tpu.memory_space<semaphore_mem>> -> memref<1x!tpu.dma_semaphore, #tpu.memory_space<semaphore_mem>>
        %dma_start3A_1125 = tpu.memref_squeeze %dma_start3A_1124 : memref<1x!tpu.dma_semaphore, #tpu.memory_space<semaphore_mem>> -> memref<!tpu.dma_semaphore, #tpu.memory_space<semaphore_mem>>
        %dma_start3A_1126 = arith.constant 0 : i32
        %dma_start3A_1127 = tpu.memref_slice %arg5[%select_n3A_1096, %mul3A_1114, %dma_start3A_1126] : memref<200x64x4096xf32, #tpu.memory_space<hbm>> -> memref<1x8x4096xf32, #tpu.memory_space<hbm>>
        %dma_start3A_1128 = tpu.memref_squeeze %dma_start3A_1127 : memref<1x8x4096xf32, #tpu.memory_space<hbm>> -> memref<8x4096xf32, #tpu.memory_space<hbm>>
        %dma_start3A_1129 = arith.constant 0 : i32
        %dma_start3A_1130 = arith.constant 0 : i32
        %dma_start3A_1131 = tpu.memref_slice %arg8[%dma_start3A_1115, %dma_start3A_1129, %dma_start3A_1130] : memref<3x8x4096xf32, #tpu.memory_space<vmem>> -> memref<1x8x4096xf32, #tpu.memory_space<vmem>>
        %dma_start3A_1132 = tpu.memref_squeeze %dma_start3A_1131 : memref<1x8x4096xf32, #tpu.memory_space<vmem>> -> memref<8x4096xf32, #tpu.memory_space<vmem>>
        tpu.enqueue_dma source(%dma_start3A_1132 : memref<8x4096xf32, #tpu.memory_space<vmem>>) target(%dma_start3A_1128 : memref<8x4096xf32, #tpu.memory_space<hbm>>) target_semaphore(%dma_start3A_1125 : memref<!tpu.dma_semaphore, #tpu.memory_space<semaphore_mem>>)
      } else {
      }
    }
    %scan3A_56 = arith.constant 17 : i32
    %add3A_57 = arith.constant 1504 : i32
    %add3A_58 = arith.addi %add3A, %add3A_57 : i32
    %jit3A_59 = arith.constant 8 : i32
    %div3A_60 = arith.divsi %add3A_58, %jit3A_59 : i32
    %sign3A_61 = arith.constant 0 : i32
    %sign3A_62 = arith.cmpi sgt, %add3A_58, %sign3A_61 : i32
    %sign3A_63 = arith.extui %sign3A_62 : i1 to i32
    %sign3A_64 = arith.constant 0 : i32
    %sign3A_65 = arith.cmpi slt, %add3A_58, %sign3A_64 : i32
    %sign3A_66 = arith.extui %sign3A_65 : i1 to i32
    %sign3A_67 = arith.subi %sign3A_63, %sign3A_66 : i32
    %sign3A_68 = arith.constant 0 : i32
    %sign3A_69 = arith.cmpi sgt, %jit3A_59, %sign3A_68 : i32
    %sign3A_70 = arith.extui %sign3A_69 : i1 to i32
    %sign3A_71 = arith.constant 0 : i32
    %sign3A_72 = arith.cmpi slt, %jit3A_59, %sign3A_71 : i32
    %sign3A_73 = arith.extui %sign3A_72 : i1 to i32
    %sign3A_74 = arith.subi %sign3A_70, %sign3A_73 : i32
    %ne3A_75 = arith.cmpi ne, %sign3A_67, %sign3A_74 : i32
    %rem3A_76 = arith.remsi %add3A_58, %jit3A_59 : i32
    %ne3A_77 = arith.constant 0 : i32
    %ne3A_78 = arith.cmpi ne, %rem3A_76, %ne3A_77 : i32
    %and3A_79 = arith.andi %ne3A_75, %ne3A_78 : i1
    %sub3A_80 = arith.constant 1 : i32
    %sub3A_81 = arith.subi %div3A_60, %sub3A_80 : i32
    %select_n3A_82 = arith.select %and3A_79, %sub3A_81, %div3A_60 : i32
    %jit3A_83 = arith.constant 8 : i32
    %eq3A_84 = arith.constant 0 : i32
    %eq3A_85 = arith.cmpi eq, %jit3A_83, %eq3A_84 : i32
    %jit3A_86 = arith.constant 1 : i32
    %select_n3A_87 = arith.select %eq3A_85, %jit3A_86, %jit3A_83 : i32
    %rem3A_88 = arith.remsi %add3A_58, %select_n3A_87 : i32
    %ne3A_89 = arith.constant 0 : i32
    %ne3A_90 = arith.cmpi ne, %rem3A_88, %ne3A_89 : i32
    %lt3A_91 = arith.constant 0 : i32
    %lt3A_92 = arith.cmpi slt, %rem3A_88, %lt3A_91 : i32
    %lt3A_93 = arith.constant 0 : i32
    %lt3A_94 = arith.cmpi slt, %select_n3A_87, %lt3A_93 : i32
    %ne3A_95 = arith.xori %lt3A_92, %lt3A_94 : i1
    %and3A_96 = arith.andi %ne3A_95, %ne3A_90 : i1
    %add3A_97 = arith.addi %rem3A_88, %select_n3A_87 : i32
    %select_n3A_98 = arith.select %and3A_96, %add3A_97, %rem3A_88 : i32
    %mul3A_99 = arith.constant 8 : i32
    %mul3A_100 = arith.muli %select_n3A_98, %mul3A_99 : i32
    %dma_wait3A = arith.constant 2 : i32
    %dma_wait3A_101 = arith.constant 2 : i32
    %dma_wait3A_102 = arith.constant 0 : i32
    %dma_wait3A_103 = arith.constant 0 : i32
    %dma_wait3A_104 = tpu.memref_slice %arg8[%dma_wait3A, %dma_wait3A_102, %dma_wait3A_103] : memref<3x8x4096xf32, #tpu.memory_space<vmem>> -> memref<1x8x4096xf32, #tpu.memory_space<vmem>>
    %dma_wait3A_105 = tpu.memref_squeeze %dma_wait3A_104 : memref<1x8x4096xf32, #tpu.memory_space<vmem>> -> memref<8x4096xf32, #tpu.memory_space<vmem>>
    %dma_wait3A_106 = arith.constant 0 : i32
    %dma_wait3A_107 = tpu.memref_slice %arg5[%select_n3A_82, %mul3A_100, %dma_wait3A_106] : memref<200x64x4096xf32, #tpu.memory_space<hbm>> -> memref<1x8x4096xf32, #tpu.memory_space<hbm>>
    %dma_wait3A_108 = tpu.memref_squeeze %dma_wait3A_107 : memref<1x8x4096xf32, #tpu.memory_space<hbm>> -> memref<8x4096xf32, #tpu.memory_space<hbm>>
    %dma_wait3A_109 = tpu.memref_slice %arg10[%dma_wait3A_101] : memref<3x!tpu.dma_semaphore, #tpu.memory_space<semaphore_mem>> -> memref<1x!tpu.dma_semaphore, #tpu.memory_space<semaphore_mem>>
    %dma_wait3A_110 = tpu.memref_squeeze %dma_wait3A_109 : memref<1x!tpu.dma_semaphore, #tpu.memory_space<semaphore_mem>> -> memref<!tpu.dma_semaphore, #tpu.memory_space<semaphore_mem>>
    %dma_wait3A_111 = arith.constant 0 : i32
    %dma_wait3A_112 = tpu.memref_slice %arg5[%select_n3A_82, %mul3A_100, %dma_wait3A_111] : memref<200x64x4096xf32, #tpu.memory_space<hbm>> -> memref<1x8x4096xf32, #tpu.memory_space<hbm>>
    %dma_wait3A_113 = tpu.memref_squeeze %dma_wait3A_112 : memref<1x8x4096xf32, #tpu.memory_space<hbm>> -> memref<8x4096xf32, #tpu.memory_space<hbm>>
    %dma_wait3A_114 = arith.constant 0 : i32
    %dma_wait3A_115 = arith.constant 0 : i32
    %dma_wait3A_116 = tpu.memref_slice %arg8[%dma_wait3A, %dma_wait3A_114, %dma_wait3A_115] : memref<3x8x4096xf32, #tpu.memory_space<vmem>> -> memref<1x8x4096xf32, #tpu.memory_space<vmem>>
    %dma_wait3A_117 = tpu.memref_squeeze %dma_wait3A_116 : memref<1x8x4096xf32, #tpu.memory_space<vmem>> -> memref<8x4096xf32, #tpu.memory_space<vmem>>
    tpu.wait_dma2 semaphore(%dma_wait3A_110 : memref<!tpu.dma_semaphore, #tpu.memory_space<semaphore_mem>>) src(%dma_wait3A_117 : memref<8x4096xf32, #tpu.memory_space<vmem>>) dst(%dma_wait3A_113 : memref<8x4096xf32, #tpu.memory_space<hbm>>)
    %add3A_118 = arith.constant 1536 : i32
    %add3A_119 = arith.addi %add3A, %add3A_118 : i32
    %jit3A_120 = arith.constant 8 : i32
    %div3A_121 = arith.divsi %add3A_119, %jit3A_120 : i32
    %sign3A_122 = arith.constant 0 : i32
    %sign3A_123 = arith.cmpi sgt, %add3A_119, %sign3A_122 : i32
    %sign3A_124 = arith.extui %sign3A_123 : i1 to i32
    %sign3A_125 = arith.constant 0 : i32
    %sign3A_126 = arith.cmpi slt, %add3A_119, %sign3A_125 : i32
    %sign3A_127 = arith.extui %sign3A_126 : i1 to i32
    %sign3A_128 = arith.subi %sign3A_124, %sign3A_127 : i32
    %sign3A_129 = arith.constant 0 : i32
    %sign3A_130 = arith.cmpi sgt, %jit3A_120, %sign3A_129 : i32
    %sign3A_131 = arith.extui %sign3A_130 : i1 to i32
    %sign3A_132 = arith.constant 0 : i32
    %sign3A_133 = arith.cmpi slt, %jit3A_120, %sign3A_132 : i32
    %sign3A_134 = arith.extui %sign3A_133 : i1 to i32
    %sign3A_135 = arith.subi %sign3A_131, %sign3A_134 : i32
    %ne3A_136 = arith.cmpi ne, %sign3A_128, %sign3A_135 : i32
    %rem3A_137 = arith.remsi %add3A_119, %jit3A_120 : i32
    %ne3A_138 = arith.constant 0 : i32
    %ne3A_139 = arith.cmpi ne, %rem3A_137, %ne3A_138 : i32
    %and3A_140 = arith.andi %ne3A_136, %ne3A_139 : i1
    %sub3A_141 = arith.constant 1 : i32
    %sub3A_142 = arith.subi %div3A_121, %sub3A_141 : i32
    %select_n3A_143 = arith.select %and3A_140, %sub3A_142, %div3A_121 : i32
    %jit3A_144 = arith.constant 8 : i32
    %eq3A_145 = arith.constant 0 : i32
    %eq3A_146 = arith.cmpi eq, %jit3A_144, %eq3A_145 : i32
    %jit3A_147 = arith.constant 1 : i32
    %select_n3A_148 = arith.select %eq3A_146, %jit3A_147, %jit3A_144 : i32
    %rem3A_149 = arith.remsi %add3A_119, %select_n3A_148 : i32
    %ne3A_150 = arith.constant 0 : i32
    %ne3A_151 = arith.cmpi ne, %rem3A_149, %ne3A_150 : i32
    %lt3A_152 = arith.constant 0 : i32
    %lt3A_153 = arith.cmpi slt, %rem3A_149, %lt3A_152 : i32
    %lt3A_154 = arith.constant 0 : i32
    %lt3A_155 = arith.cmpi slt, %select_n3A_148, %lt3A_154 : i32
    %ne3A_156 = arith.xori %lt3A_153, %lt3A_155 : i1
    %and3A_157 = arith.andi %ne3A_156, %ne3A_151 : i1
    %add3A_158 = arith.addi %rem3A_149, %select_n3A_148 : i32
    %select_n3A_159 = arith.select %and3A_157, %add3A_158, %rem3A_149 : i32
    %mul3A_160 = arith.constant 8 : i32
    %mul3A_161 = arith.muli %select_n3A_159, %mul3A_160 : i32
    %dma_wait3A_162 = arith.constant 0 : i32
    %dma_wait3A_163 = arith.constant 0 : i32
    %dma_wait3A_164 = arith.constant 0 : i32
    %dma_wait3A_165 = arith.constant 0 : i32
    %dma_wait3A_166 = tpu.memref_slice %arg8[%dma_wait3A_162, %dma_wait3A_164, %dma_wait3A_165] : memref<3x8x4096xf32, #tpu.memory_space<vmem>> -> memref<1x8x4096xf32, #tpu.memory_space<vmem>>
    %dma_wait3A_167 = tpu.memref_squeeze %dma_wait3A_166 : memref<1x8x4096xf32, #tpu.memory_space<vmem>> -> memref<8x4096xf32, #tpu.memory_space<vmem>>
    %dma_wait3A_168 = arith.constant 0 : i32
    %dma_wait3A_169 = tpu.memref_slice %arg5[%select_n3A_143, %mul3A_161, %dma_wait3A_168] : memref<200x64x4096xf32, #tpu.memory_space<hbm>> -> memref<1x8x4096xf32, #tpu.memory_space<hbm>>
    %dma_wait3A_170 = tpu.memref_squeeze %dma_wait3A_169 : memref<1x8x4096xf32, #tpu.memory_space<hbm>> -> memref<8x4096xf32, #tpu.memory_space<hbm>>
    %dma_wait3A_171 = tpu.memref_slice %arg10[%dma_wait3A_163] : memref<3x!tpu.dma_semaphore, #tpu.memory_space<semaphore_mem>> -> memref<1x!tpu.dma_semaphore, #tpu.memory_space<semaphore_mem>>
    %dma_wait3A_172 = tpu.memref_squeeze %dma_wait3A_171 : memref<1x!tpu.dma_semaphore, #tpu.memory_space<semaphore_mem>> -> memref<!tpu.dma_semaphore, #tpu.memory_space<semaphore_mem>>
    %dma_wait3A_173 = arith.constant 0 : i32
    %dma_wait3A_174 = tpu.memref_slice %arg5[%select_n3A_143, %mul3A_161, %dma_wait3A_173] : memref<200x64x4096xf32, #tpu.memory_space<hbm>> -> memref<1x8x4096xf32, #tpu.memory_space<hbm>>
    %dma_wait3A_175 = tpu.memref_squeeze %dma_wait3A_174 : memref<1x8x4096xf32, #tpu.memory_space<hbm>> -> memref<8x4096xf32, #tpu.memory_space<hbm>>
    %dma_wait3A_176 = arith.constant 0 : i32
    %dma_wait3A_177 = arith.constant 0 : i32
    %dma_wait3A_178 = tpu.memref_slice %arg8[%dma_wait3A_162, %dma_wait3A_176, %dma_wait3A_177] : memref<3x8x4096xf32, #tpu.memory_space<vmem>> -> memref<1x8x4096xf32, #tpu.memory_space<vmem>>
    %dma_wait3A_179 = tpu.memref_squeeze %dma_wait3A_178 : memref<1x8x4096xf32, #tpu.memory_space<vmem>> -> memref<8x4096xf32, #tpu.memory_space<vmem>>
    tpu.wait_dma2 semaphore(%dma_wait3A_172 : memref<!tpu.dma_semaphore, #tpu.memory_space<semaphore_mem>>) src(%dma_wait3A_179 : memref<8x4096xf32, #tpu.memory_space<vmem>>) dst(%dma_wait3A_175 : memref<8x4096xf32, #tpu.memory_space<hbm>>)
    %add3A_180 = arith.constant 1568 : i32
    %add3A_181 = arith.addi %add3A, %add3A_180 : i32
    %jit3A_182 = arith.constant 8 : i32
    %div3A_183 = arith.divsi %add3A_181, %jit3A_182 : i32
    %sign3A_184 = arith.constant 0 : i32
    %sign3A_185 = arith.cmpi sgt, %add3A_181, %sign3A_184 : i32
    %sign3A_186 = arith.extui %sign3A_185 : i1 to i32
    %sign3A_187 = arith.constant 0 : i32
    %sign3A_188 = arith.cmpi slt, %add3A_181, %sign3A_187 : i32
    %sign3A_189 = arith.extui %sign3A_188 : i1 to i32
    %sign3A_190 = arith.subi %sign3A_186, %sign3A_189 : i32
    %sign3A_191 = arith.constant 0 : i32
    %sign3A_192 = arith.cmpi sgt, %jit3A_182, %sign3A_191 : i32
    %sign3A_193 = arith.extui %sign3A_192 : i1 to i32
    %sign3A_194 = arith.constant 0 : i32
    %sign3A_195 = arith.cmpi slt, %jit3A_182, %sign3A_194 : i32
    %sign3A_196 = arith.extui %sign3A_195 : i1 to i32
    %sign3A_197 = arith.subi %sign3A_193, %sign3A_196 : i32
    %ne3A_198 = arith.cmpi ne, %sign3A_190, %sign3A_197 : i32
    %rem3A_199 = arith.remsi %add3A_181, %jit3A_182 : i32
    %ne3A_200 = arith.constant 0 : i32
    %ne3A_201 = arith.cmpi ne, %rem3A_199, %ne3A_200 : i32
    %and3A_202 = arith.andi %ne3A_198, %ne3A_201 : i1
    %sub3A_203 = arith.constant 1 : i32
    %sub3A_204 = arith.subi %div3A_183, %sub3A_203 : i32
    %select_n3A_205 = arith.select %and3A_202, %sub3A_204, %div3A_183 : i32
    %jit3A_206 = arith.constant 8 : i32
    %eq3A_207 = arith.constant 0 : i32
    %eq3A_208 = arith.cmpi eq, %jit3A_206, %eq3A_207 : i32
    %jit3A_209 = arith.constant 1 : i32
    %select_n3A_210 = arith.select %eq3A_208, %jit3A_209, %jit3A_206 : i32
    %rem3A_211 = arith.remsi %add3A_181, %select_n3A_210 : i32
    %ne3A_212 = arith.constant 0 : i32
    %ne3A_213 = arith.cmpi ne, %rem3A_211, %ne3A_212 : i32
    %lt3A_214 = arith.constant 0 : i32
    %lt3A_215 = arith.cmpi slt, %rem3A_211, %lt3A_214 : i32
    %lt3A_216 = arith.constant 0 : i32
    %lt3A_217 = arith.cmpi slt, %select_n3A_210, %lt3A_216 : i32
    %ne3A_218 = arith.xori %lt3A_215, %lt3A_217 : i1
    %and3A_219 = arith.andi %ne3A_218, %ne3A_213 : i1
    %add3A_220 = arith.addi %rem3A_211, %select_n3A_210 : i32
    %select_n3A_221 = arith.select %and3A_219, %add3A_220, %rem3A_211 : i32
    %mul3A_222 = arith.constant 8 : i32
    %mul3A_223 = arith.muli %select_n3A_221, %mul3A_222 : i32
    %dma_wait3A_224 = arith.constant 1 : i32
    %dma_wait3A_225 = arith.constant 1 : i32
    %dma_wait3A_226 = arith.constant 0 : i32
    %dma_wait3A_227 = arith.constant 0 : i32
    %dma_wait3A_228 = tpu.memref_slice %arg8[%dma_wait3A_224, %dma_wait3A_226, %dma_wait3A_227] : memref<3x8x4096xf32, #tpu.memory_space<vmem>> -> memref<1x8x4096xf32, #tpu.memory_space<vmem>>
    %dma_wait3A_229 = tpu.memref_squeeze %dma_wait3A_228 : memref<1x8x4096xf32, #tpu.memory_space<vmem>> -> memref<8x4096xf32, #tpu.memory_space<vmem>>
    %dma_wait3A_230 = arith.constant 0 : i32
    %dma_wait3A_231 = tpu.memref_slice %arg5[%select_n3A_205, %mul3A_223, %dma_wait3A_230] : memref<200x64x4096xf32, #tpu.memory_space<hbm>> -> memref<1x8x4096xf32, #tpu.memory_space<hbm>>
    %dma_wait3A_232 = tpu.memref_squeeze %dma_wait3A_231 : memref<1x8x4096xf32, #tpu.memory_space<hbm>> -> memref<8x4096xf32, #tpu.memory_space<hbm>>
    %dma_wait3A_233 = tpu.memref_slice %arg10[%dma_wait3A_225] : memref<3x!tpu.dma_semaphore, #tpu.memory_space<semaphore_mem>> -> memref<1x!tpu.dma_semaphore, #tpu.memory_space<semaphore_mem>>
    %dma_wait3A_234 = tpu.memref_squeeze %dma_wait3A_233 : memref<1x!tpu.dma_semaphore, #tpu.memory_space<semaphore_mem>> -> memref<!tpu.dma_semaphore, #tpu.memory_space<semaphore_mem>>
    %dma_wait3A_235 = arith.constant 0 : i32
    %dma_wait3A_236 = tpu.memref_slice %arg5[%select_n3A_205, %mul3A_223, %dma_wait3A_235] : memref<200x64x4096xf32, #tpu.memory_space<hbm>> -> memref<1x8x4096xf32, #tpu.memory_space<hbm>>
    %dma_wait3A_237 = tpu.memref_squeeze %dma_wait3A_236 : memref<1x8x4096xf32, #tpu.memory_space<hbm>> -> memref<8x4096xf32, #tpu.memory_space<hbm>>
    %dma_wait3A_238 = arith.constant 0 : i32
    %dma_wait3A_239 = arith.constant 0 : i32
    %dma_wait3A_240 = tpu.memref_slice %arg8[%dma_wait3A_224, %dma_wait3A_238, %dma_wait3A_239] : memref<3x8x4096xf32, #tpu.memory_space<vmem>> -> memref<1x8x4096xf32, #tpu.memory_space<vmem>>
    %dma_wait3A_241 = tpu.memref_squeeze %dma_wait3A_240 : memref<1x8x4096xf32, #tpu.memory_space<vmem>> -> memref<8x4096xf32, #tpu.memory_space<vmem>>
    tpu.wait_dma2 semaphore(%dma_wait3A_234 : memref<!tpu.dma_semaphore, #tpu.memory_space<semaphore_mem>>) src(%dma_wait3A_241 : memref<8x4096xf32, #tpu.memory_space<vmem>>) dst(%dma_wait3A_237 : memref<8x4096xf32, #tpu.memory_space<hbm>>)
    return
  }
}

</mosaic_0001>

<sc_bundles>
// kernel: kernel.3.cloned.1.call-start
scs
__scs_entry_jumppad:
0x0: {  	(pc) =	sbr.rel $0x88, $3  }
0x1: {  	(tag) =	ssettag $0x0;
	lr =	simm.s32 $0x1  }
0x2: {  	[smem:$0x3F9E] =	sst lr;
	_ =	strace $0xD0000000  }
0x3: {  	_ = 	snop  }
0x4: {  	_ = 	snop  }
0x5: {  	_ = 	snop  }
0x6: {  	_ = 	snop  }
0x7: {  	_ = 	snop  }
__scs_overlays_trampoline_lowered:
0x8: {  	[smem:$0x3FAD] =	sst s0  }
0x9: {  	[smem:$0x3FAE] =	sst s1  }
0xa: {  	[smem:$0x3FAF] =	sst s2  }
0xb: {  	[smem:$0x3FB0] =	sst s3  }
0xc: {  	[smem:$0x3FB1] =	sst s4  }
0xd: {  	[smem:$0x3FB2] =	sst s5  }
0xe: {  	[smem:$0x3FB3] =	sst s6  }
0xf: {  	[smem:$0x3FB4] =	sst s7  }
0x10: {  	[smem:$0x3FB5] =	sst s8  }
0x11: {  	[smem:$0x3FB6] =	sst s9;
	s0 =	simm.s32 @!p0 $0x0  }
0x12: {  	s1 =	sld [smem:$0x3F9C];
	s0 =	simm.s32 @p0 $0x1  }
0x13: {  	[smem:$0x3FB7] =	sst s0;
	s0 =	simm.s32 @!p1 $0x0  }
0x14: {  	s2 =	sld [smem:$0x3F9B];
	s0 =	simm.s32 @p1 $0x1  }
0x15: {  	[smem:$0x3FB8] =	sst s0;
	s0 =	simm.s32 @!p2 $0x0  }
0x16: {  	s3 =	sld [smem:$0x3FDB];
	s0 =	simm.s32 @p2 $0x1  }
0x17: {  	s4 =	simm.s32 $0x1BF5;
	[smem:$0x3FBA] =	sst s0  }
0x18: {  	s0 =	sld [smem:$0x3F9D];
	_ =	swait.ge [sflag:s4], $0x0  }
0x19: {  	s7 =	sld [smem:$0x3F9E]  }
0x1a: {  	s8 =	sadd.s32 $0xFFFFE003, lr  }
0x1b: {  	s9 =	sadd.s32 $0xFFFFFEF7, lr;
	s5 =	simm.s32 $0xFFFFFFFF;
	p2 =	slt.u32 s8, $0xFFFFF086  }
0x1c: {  	p1 =	slt.u32 s9, $0xF7A;
	s5 =	simm.s32 @!p2 $0x0  }
0x1d: {  	s5 =	simm.s32 @p1 $0x1;
	p0 =	seq.s32 s7, s2  }
0x1e: {  	s7 =	smul.u32 @!p0 $0xF7A, s2;
	p2 =	seq.s32 @!p0 s5, $0x0  }
0x1f: {  	s9 =	smul.u32 $0xF7A, s1;
	s8 =	simm.s32 @!p0 $0x1BF5;
	p2 =	por !p2, p0  }
0x20: {  	[sflag:s8] =	ssyncset.s32 @!p0 $0xFFFFF086;
	s6 =	sadd.s32 @!p0 s3, s7;
	s7 =	simm.s32 @!p0 $0x108  }
0x21: {  	s3 =	sadd.s32 s3, s9;
	s6 =	sadd.s32 @!p0 $0x88, s6;
	s7 =	simm.s32 @p2 $0x1082  }
0x22: {  	[simem:s7], [sflag:s8] =	dma.local @!p0 [hbm:s6], $0xF7A  }
0x23: {  	s9 =	sor.u32 $0xD0000000, s2;
	s6 =	simm.s32 $0x108;
	_ =	swait.ge @!p0 [sflag:s8], $0x0  }
0x24: {  	s3 =	sadd.s32 $0x88, s3;
	s6 =	simm.s32 @!p1 $0x1082;
	[sflag:s4] =	ssyncset.s32 $0xFFFFF086  }
0x25: {  	[simem:s6], [sflag:s4] =	dma.local [hbm:s3], $0xF7A  }
0x26: {  	[smem:$0x3F9E] =	sst s1;
	(tag) =	ssettag s2;
	_ =	strace s9  }
0x27: {  	s1 =	sld [smem:$0x3FAE]  }
0x28: {  	s2 =	sld [smem:$0x3FAF]  }
0x29: {  	s4 =	sld [smem:$0x3FB1]  }
0x2a: {  	p0 =	seq.s32 s5, $0x0;
	s5 =	sld [smem:$0x3FB2]  }
0x2b: {  	s6 =	sld [smem:$0x3FB3]  }
0x2c: {  	s7 =	sld [smem:$0x3FB4]  }
0x2d: {  	s3 =	simm.s32 $0x108;
	s8 =	sld [smem:$0x3FB5]  }
0x2e: {  	s3 =	simm.s32 @!p0 $0x1082;
	s9 =	sld [smem:$0x3FB6]  }
0x2f: {  	lr =	sadd.s32 s0, s3;
	s0 =	sld [smem:$0x3FAD]  }
0x30: {  	s3 =	sld [smem:$0x3FB0]  }
0x31: {  	[smem:$0x3FB9] =	sst s10  }
0x32: {  	s10 =	sld [smem:$0x3FB7];
	_ =	sdelay $0x3  }
0x33: {  	p0 =	seq.s32 s10, $0x1;
	s10 =	sld [smem:$0x3FB9];
	_ =	sdelay $0x3  }
0x34: {  	[smem:$0x3FB9] =	sst s10  }
0x35: {  	s10 =	sld [smem:$0x3FB8];
	_ =	sdelay $0x3  }
0x36: {  	p1 =	seq.s32 s10, $0x1;
	s10 =	sld [smem:$0x3FB9];
	_ =	sdelay $0x3  }
0x37: {  	[smem:$0x3FB9] =	sst s10  }
0x38: {  	s10 =	sld [smem:$0x3FBA]  }
0x39: {  	_ = 	snop;
	(pc) =	sbr.ind lr, $3  }
0x3a: {  	_ = 	snop  }
0x3b: {  	_ = 	snop  }
0x3c: {  	p2 =	seq.s32 s10, $0x1;
	s10 =	sld [smem:$0x3FB9]  }
0x3d: {  	_ =	shalt  }
0x3e: {  	_ =	shalt  }
0x3f: {  	_ =	shalt  }
0x40: {  	_ =	shalt  }
0x41: {  	_ =	shalt  }
0x42: {  	_ =	shalt  }
0x43: {  	_ =	shalt  }
0x44: {  	_ =	shalt  }
0x45: {  	_ =	shalt  }
0x46: {  	_ =	shalt  }
0x47: {  	_ =	shalt  }
0x48: {  	_ =	shalt  }
0x49: {  	_ =	shalt  }
0x4a: {  	_ =	shalt  }
0x4b: {  	_ =	shalt  }
0x4c: {  	_ =	shalt  }
0x4d: {  	_ =	shalt  }
0x4e: {  	_ =	shalt  }
0x4f: {  	_ =	shalt  }
0x50: {  	_ =	shalt  }
0x51: {  	_ =	shalt  }
0x52: {  	_ =	shalt  }
0x53: {  	_ =	shalt  }
0x54: {  	_ =	shalt  }
0x55: {  	_ =	shalt  }
0x56: {  	_ =	shalt  }
0x57: {  	_ =	shalt  }
0x58: {  	_ =	shalt  }
0x59: {  	_ =	shalt  }
0x5a: {  	_ =	shalt  }
0x5b: {  	_ =	shalt  }
0x5c: {  	_ =	shalt  }
0x5d: {  	_ =	shalt  }
0x5e: {  	_ =	shalt  }
0x5f: {  	_ =	shalt  }
0x60: {  	_ =	shalt  }
0x61: {  	_ =	shalt  }
0x62: {  	_ =	shalt  }
0x63: {  	_ =	shalt  }
0x64: {  	_ =	shalt  }
0x65: {  	_ =	shalt  }
0x66: {  	_ =	shalt  }
0x67: {  	_ =	shalt  }
0x68: {  	_ =	shalt  }
0x69: {  	_ =	shalt  }
0x6a: {  	_ =	shalt  }
0x6b: {  	_ =	shalt  }
0x6c: {  	_ =	shalt  }
0x6d: {  	_ =	shalt  }
0x6e: {  	_ =	shalt  }
0x6f: {  	_ =	shalt  }
0x70: {  	_ =	shalt  }
0x71: {  	_ =	shalt  }
0x72: {  	_ =	shalt  }
0x73: {  	_ =	shalt  }
0x74: {  	_ =	shalt  }
0x75: {  	_ =	shalt  }
0x76: {  	_ =	shalt  }
0x77: {  	_ =	shalt  }
0x78: {  	_ =	shalt  }
0x79: {  	_ =	shalt  }
0x7a: {  	_ =	shalt  }
0x7b: {  	_ =	shalt  }
0x7c: {  	_ =	shalt  }
0x7d: {  	_ =	shalt  }
0x7e: {  	_ =	shalt  }
0x7f: {  	_ =	shalt  }
0x80: {  	_ =	shalt  }
0x81: {  	_ =	shalt  }
0x82: {  	_ =	shalt  }
0x83: {  	_ =	shalt  }
0x84: {  	_ =	shalt  }
0x85: {  	_ =	shalt  }
0x86: {  	_ =	shalt  }
0x87: {  	_ =	shalt  }
.Lfunc_end0:
.L_simem_size_0:
called_computation_lowered:
.L_overlay_start_0:
0x88: {  	s2 =	sld [smem:$0x3FD9]  }
0x89: {  	s3 =	sld [smem:$0x3FFE];
	_ =	sdelay $0x1  }
0x8a: {  	s1 =	srdreg.scid  }
0x8b: {  	s0 =	sand.u32 $0x1, s1  }
0x8c: {  	s18 =	sshll.u32 s0, $0xA;
	s2 =	sadd.s32 s3, s2  }
0x8d: {  	s2 =	sadd.s32 s2, s18  }
0x8e: {  	[smem:$0x3FC5] =	sst s2  }
0x8f: {  	_ = 	snop  }
0x90: {  	s2 =	sld [smem:$0x3FC9]  }
0x91: {  	s19 =	sld [smem:$0x3FC8]  }
0x92: {  	s4 =	sld [smem:$0x3FC7]  }
0x93: {  	s5 =	sld [smem:$0x3FD0];
	(tm) =	ssettm $0x1  }
0x94: {  	s6 =	sld [smem:$0x3FFB];
	_ =	sdelay $0x3  }
0x95: {  	_ =	strace s6  }
0x96: {  	s6 =	sld [smem:$0x3FFC];
	_ =	sdelay $0x3  }
0x97: {  	_ =	strace s6  }
0x98: {  	s6 =	sld [smem:$0x3FFD];
	_ =	sdelay $0x3  }
0x99: {  	_ =	strace s6  }
0x9a: {  	_ =	strace $0x8FFFFFFF  }
0x9b: {  	s20 =	sld [smem:$0x3FDB];
	_ =	sdelay $0x1  }
0x9c: {  	s7 =	simm.s32 $_scs_section_size  }
0x9d: {  	s8 =	simm.s32 $_size__tile_overlayer_lowered;
	s9 =	simm.s32 $_tile_overlayer_lowered  }
0x9e: {  	s23 =	simm.s32 $0x1BFF;
	s22 =	sshll.u32 s9, $0x1;
	s6 =	sadd.s32 s7, s20  }
0x9f: {  	s10 =	simm.s32 $0x0;
	s21 =	sshll.u32 s8, $0x1;
	s8 =	sadd.s32 s22, s6  }
0xa0: {  	[timem:s10], [sflag:s23] =	dma.local [hbm:s8], s21  }
0xa1: {  	_ =	swait.ge [sflag:s23], s21  }
0xa2: {  	s7 =	ssub.s32 $0x0, s21;
	[sflag:s23] =	ssyncset.done $0x0  }
0xa3: {  	[sflag:s23] =	ssyncadd.s32 s7;
	_ =	sdelay $0x1  }
0xa4: {  	s24 =	simm.s32 $0x1B8B  }
0xa5: {  	_ =	swait.ge [sflag:s24], $0x1  }
0xa6: {  	[sflag:s24] =	ssyncset.done $0x0  }
0xa7: {  	s25 =	simm.s32 $0x1B8E;
	[sflag:s24] =	ssyncadd.s32 $0xFFFFFFFF  }
0xa8: {  	s26 =	simm.s32 $execute0_lowered;
	[smem:$0x3FD2] =	sst s25  }
0xa9: {  	s7 =	sshll.u32 s26, $0x1;
	_ =	strace $0x80000046;
	[dreg:$0x1] =	wrdreg $0xFFFFFFFF  }
0xaa: {  	s28 =	simm.s32 $_size_execute0_lowered;
	s6 =	sadd.s32 s6, s7;
	[dreg:$0x0] =	wrdreg $0x0  }
0xab: {  	s7 =	sshll.u32 s28, $0x1;
	[dreg:$0x2] =	wrdreg s6  }
0xac: {  	[dreg:$0x3] =	wrdreg s7  }
0xad: {  	[dreg:$0x4] =	wrdreg $0xC0  }
0xae: {  	_ =	task [dreg:s10], $0x5FFFF  }
0xaf: {  	[dreg:$0x1] =	wrdreg $0xFFFFFFFF  }
0xb0: {  	[dreg:$0x0] =	wrdreg $0x60  }
0xb1: {  	[dreg:$0x2] =	wrdreg s2  }
0xb2: {  	[dreg:$0x3] =	wrdreg s19  }
0xb3: {  	[dreg:$0x4] =	wrdreg s4  }
0xb4: {  	[dreg:$0x5] =	wrdreg s5  }
0xb5: {  	[dreg:$0x6] =	wrdreg $0x9  }
0xb6: {  	_ =	task.clear_ibuf [dreg:s10], $0x7FFFF;
	_ =	strace $0x90000046  }
0xb7: {  	s29 =	simm.s32 $0x9;
	_ =	strace $0x80000048  }
0xb8: {  	_ =	swait.ge [sflag:s29], $0x1  }
0xb9: {  	[sflag:s29] =	ssyncadd.s32 $0xFFFFFFFF  }
0xba: {  	_ =	strace $0x90000048  }
0xbb: {  	_ =	sfence  }
0xbc: {  	s30 =	sld [smem:$0x0];
	_ =	sdelay $0x2  }
0xbd: {  	s31 =	sshll.u32 s1, $0xD;
	s1 =	sshrl.u32 s1, $0x2  }
0xbe: {  	s3 =	sand.u32 $0x4000, s31;
	s1 =	sadd.s32 s1, s30  }
0xbf: {  	s0 =	sor.u32 s3, s0;
	s1 =	sshll.u32 s1, $0x11  }
0xc0: {  	s0 =	sor.u32 s1, s0  }
0xc1: {  	s0 =	sadd.s32 $0x8F2B, s0  }
0xc2: {  	[sflag:s0] =	ssyncadd.remote.s32 $0x1  }
0xc3: {  	_ =	sfence.sel $0xFFFF  }
0xc4: {  	[dreg:$0x0] =	wrdreg $0xFFFFFFFF;
	(pc) =	sbr.abs _section_cstart, $3  }
0xc5: {  	[dreg:$0x1] =	wrdreg $0xFFFFFFFF  }
0xc6: {  	_ =	task.clear_ibuf [dreg:s10], $0x2FFFF;
	_ =	strace $0x9FFFFFFF  }
0xc7: {  	(tm) =	ssettm $0x7FFFFFFF  }
tec
execute0_lowered:
.L_overlay_start_1:
0x0: {  	(tag) =	ssettag $0x1  }
0x1: {  	s5 =	rddreg [dreg:$0x0]  }
0x2: {  	s6 =	rddreg [dreg:$0x3]  }
0x3: {  	s0 =	simm.s32 $0x0;
	s19 =	srdreg.scid;
	s3 =	stileid.u32  }
0x4: {  	[smem:$0x7FF] =	sst s0;
	s0 =	sand.u32 $0x1, s19;
	s1 =	sshll.u32 s3, $0x1  }
0x5: {  	s20 =	sshll.u32 s3, $0xD;
	_ =	strace $0x80000047;
	s2 =	ssub.s32 $0x2, s0  }
0x6: {  	s7 =	sor.u32 s0, s1;
	s0 =	sand.u32 $0x18000, s20;
	s25 =	sor.u32 $0x20, s1  }
0x7: {  	s26 =	sor.u32 $0x40, s1;
	s1 =	sor.u32 $0x60, s1;
	[dreg:$0x5] =	wrdreg s7  }
0x8: {  	s4 =	sshll.u32 s7, $0xC;
	s0 =	sadd.s32 s5, s0;
	[dreg:$0x7] =	wrdreg s25  }
0x9: {  	s24 =	sshll.u32 s7, $0x3;
	[dreg:$0x8] =	wrdreg s26;
	s22 =	sand.u32 $0x7000, s4  }
0xa: {  	[dreg:$0x9] =	wrdreg s1;
	s4 =	sand.u32 $0x38, s24;
	s0 =	sadd.s32 s22, s0  }
0xb: {  	s21 =	sshrl.u32 s2, $0x1;
	s29 =	sshll.u32 s4, $0x8;
	[dreg:$0x6] =	wrdreg s0  }
0xc: {  	s28 =	sshll.u32 s4, $0x9;
	s4 =	sshll.u32 s4, $0xC;
	[dreg:$0xb] =	wrdreg s29  }
.Ltmp0:
0xd: {  	s3 =	sadd.s32 s5, s22;
	[dreg:$0xc] =	wrdreg s4;
	(pc) =	sbr.rel .LBB2_1-.Ltmp0, $4  }
0xe: {  	s2 =	ssub.s32 s2, s21;
	[dreg:$0xd] =	wrdreg s3  }
0xf: {  	s30 =	simm.s32 $0xD000;
	s31 =	smax.u32 s2, $0x1;
	[dreg:$0xa] =	wrdreg s28  }
0x10: {  	s23 =	sand.u32 $0x7, s7;
	s1 =	sadd.s32 s6, s28;
	[dreg:$0xf] =	wrdreg s31  }
0x11: {  	p0 =	sne.s32 s23, $0x0;
	s2 =	simm.s32 $0x0;
	[dreg:$0xe] =	wrdreg s1  }
.LBB2_14:
0x12: {  	s0 =	simm.s32 $0x6  }
0x13: {  	_ =	swait.ge [sflag:s0], $0x8000  }
0x14: {  	[sflag:s0] =	ssyncset.done $0x0  }
0x15: {  	s29 =	simm.s32 $0x4;
	[sflag:s0] =	ssyncadd.s32 $0xFFFF8000  }
0x16: {  	_ =	swait.ge [sflag:s29], $0x8000  }
0x17: {  	[sflag:s29] =	ssyncset.done $0x0  }
0x18: {  	s1 =	simm.s32 $0x5;
	[sflag:s29] =	ssyncadd.s32 $0xFFFF8000  }
0x19: {  	_ =	swait.ge [sflag:s1], $0x8000  }
0x1a: {  	s2 =	rddreg [dreg:$0x10]  }
0x1b: {  	s31 =	rddreg [dreg:$0xf];
	s2 =	sadd.s32 $0x1, s2  }
0x1c: {  	p1 =	sne.s32 s2, s31  }
.Ltmp1:
0x1d: {  	_ = 	snop;
	(pc) =	sbr.rel @!p1 .LBB2_15-.Ltmp1, $3  }
0x1e: {  	_ =	sdelay $0x1  }
0x1f: {  	[sflag:s1] =	ssyncset.done $0x0  }
0x20: {  	[sflag:s1] =	ssyncadd.s32 $0xFFFF8000  }
.LBB2_1:
0x21: {  	[dreg:$0x10] =	wrdreg s2  }
0x22: {  	s0 =	rddreg [dreg:$0x2];
	s1 =	simm.s32 $0x0  }
0x23: {  	s25 =	simm.s32 $0x800;
	s3 =	simm.s32 $0x4000;
	s26 =	simm.s32 $0x7  }
0x24: {  	[tilespmem:s1], [sflag:$0x7] =	stream.strided.gather [hbm4b:s0+s25], $0x4000, s3, s25, $0x38;
	[tilespmem:$0x1D000] =	vst v63  }
0x25: {  	_ =	swait.ge [sflag:s26], $0x4000  }
0x26: {  	[sflag:s26] =	ssyncset.done $0x0  }
0x27: {  	[sflag:s26] =	ssyncadd.s32 $0xFFFFC000  }
0x28: {  	s28 =	rddreg [dreg:$0x1]  }
0x29: {  	[tilespmem:s3], [sflag:$0x7] =	stream.linear.gather [hbm4b:s28+s1], $0x1000, $0x38;
	[tilespmem:$0x1D000] =	vst v63  }
0x2a: {  	_ =	swait.ge [sflag:s26], $0x1000  }
0x2b: {  	s31 =	simm.s32 $0x5000;
	[sflag:s26] =	ssyncset.done $0x0  }
0x2c: {  	s0 =	simm.s32 $0x0;
	s29 =	rddreg [dreg:$0x6];
	[sflag:s26] =	ssyncadd.s32 $0xFFFFF000  }
0x2d: {  	[tilespmem:s31], [sflag:$0x1] =	stream.linear.gather [hbm4b:s29+s1], $0x8000, $0x38;
	[tilespmem:$0x1D000] =	vst v63  }
.LBB2_2:
0x2e: {  	s5 =	smul.u32 $0x60, s0  }
0x2f: {  	s1 =	rddreg [dreg:$0x5]  }
0x30: {  	s1 =	sor.u32 s1, s5  }
0x31: {  	p1 =	seq.s32 s1, $0x0  }
0x32: {  	p1 =	por !p0, !p1  }
0x33: {  	s2 =	rddreg [dreg:$0x7];
	p2 =	por !p1, !p1;
	p1 =	seq.s32 s0, $0x0  }
0x34: {  	s4 =	simm.s32 $0x1;
	s2 =	sadd.s32 s2, s5;
	s7 =	simm.s32 @!p1 $0x5  }
0x35: {  	s1 =	sshrl.u32 s1, $0x3;
	s3 =	sshrl.u32 s2, $0x3;
	_ =	swait.ge @!p1 [sflag:s7], $0x8000  }
0x36: {  	s2 =	sshll.u32 s3, $0xF;
	s4 =	simm.s32 @!p2 $0x0;
	[sflag:s7] =	ssyncset.done @!p1 $0x0  }
0x37: {  	s18 =	ssub.s32 s1, s4;
	s17 =	rddreg [dreg:$0xa];
	[sflag:s7] =	ssyncadd.s32 @!p1 $0xFFFF8000  }
0x38: {  	s4 =	sadd.s32 $0x1, s18;
	s2 =	sor.u32 s17, s2;
	s19 =	rddreg [dreg:$0x0]  }
0x39: {  	s20 =	sshll.u32 s4, $0x3;
	s1 =	sadd.s32 s19, s2;
	s19 =	simm.s32 $0x0  }
0x3a: {  	[tilespmem:s30], [sflag:$0x2] =	stream.linear.gather [hbm4b:s1+s19], $0x8000, $0x38;
	[tilespmem:$0x1D000] =	vst v63  }
0x3b: {  	s6 =	rddreg [dreg:$0xb];
	s1 =	sand.u32 $0xFFFFFC00, s20  }
0x3c: {  	s21 =	sand.u32 $0x70, s4;
	s1 =	sadd.s32 s1, s6  }
0x3d: {  	s1 =	sadd.s32 s21, s1  }
0x3e: {  	v0 =	vld [tilespmem:s1+$0x0]  }
0x3f: {  	v2 =	vld [tilespmem:s1+$0x80]  }
0x40: {  	v3 =	vld [tilespmem:s1+$0x100]  }
0x41: {  	v4 =	vld [tilespmem:s1+$0x180]  }
0x42: {  	v5 =	vld [tilespmem:s1+$0x200]  }
0x43: {  	v6 =	vld [tilespmem:s1+$0x280]  }
0x44: {  	s22 =	simm.s32 $0x1;
	v7 =	vld [tilespmem:s1+$0x300]  }
0x45: {  	s23 =	sand.u32 $0xF80, s19;
	v8 =	vld [tilespmem:s1+$0x380];
	_ =	swait.ge [sflag:s22], $0x8000;
	s1 =	sand.u32 $0x40, s19  }
0x46: {  	s7 =	sor.u32 $0x4000, s23;
	[sflag:s22] =	ssyncset.done $0x0;
	s9 =	sor.u32 $0x30, s1  }
0x47: {  	s11 =	sor.u32 $0x10, s1;
	[sflag:s22] =	ssyncadd.s32 $0xFFFF8000;
	s8 =	sor.u32 s9, s7  }
0x48: {  	s24 =	sor.u32 s11, s7;
	v9 =	vld [tilespmem:s8+$0x0]  }
0x49: {  	v11 =	vld [tilespmem:s24+$0x0]  }
0x4a: {  	s4 =	sand.u32 $0xF, s4  }
0x4b: {  	v10 =	vmov s4;
	s12 =	sor.u32 $0x20, s1  }
0x4c: {  	v1 =	vmov s18;
	s25 =	sand.u32 $0x7C00, s19;
	s7 =	sor.u32 s12, s7;
	v0 =	vperm.xlane v0, v10  }
0x4d: {  	s8 =	simm.s32 $0x4000;
	v12 =	vld [tilespmem:s7+$0x0];
	s7 =	sadd.s32 $0x5000, s25;
	vm0 =	vgt.s32 v9, v1  }
0x4e: {  	s9 =	sor.u32 s9, s7;
	v2 =	vperm.xlane v2, v10;
	v9 =	vld [tilespmem:s8+$0x0];
	vm1 =	vgt.s32 v11, v1;
	v13 =	vnsel vm0, $0x0, v0  }
0x4f: {  	p2 =	por $0x0, $0x0;
	s4 =	simm.s32 $0x1;
	s11 =	sor.u32 s11, s7;
	v3 =	vperm.xlane v3, v10;
	v11 =	vnsel vm1, $0x0, v0;
	[tilespmem:s9+$0x0] =	vst.add.f32.msk $0xffff, v13  }
0x50: {  	s4 =	simm.s32 @!p2 $0x0;
	s14 =	sor.u32 $0x80, s9;
	v60 =	vnsel vm0, $0x0, v2;
	[tilespmem:s11+$0x0] =	vst.add.f32.msk $0xffff, v11  }
0x51: {  	s4 =	sshll.u32 s4, $0x6;
	v4 =	vperm.xlane v4, v10;
	s26 =	sor.u32 $0x100, s9;
	v61 =	vnsel vm0, $0x0, v3;
	[tilespmem:s14+$0x0] =	vst.add.f32.msk $0xffff, v60  }
0x52: {  	s4 =	sadd.s32 $0x0, s4;
	v5 =	vperm.xlane v5, v10;
	v11 =	vnsel vm1, $0x0, v2;
	s14 =	sor.u32 $0x80, s11;
	[tilespmem:s26+$0x0] =	vst.add.f32.msk $0xffff, v61  }
0x53: {  	s28 =	sadd.s32 $0x30, s4;
	v6 =	vperm.xlane v6, v10;
	v62 =	vnsel vm0, $0x0, v4;
	s9 =	sor.u32 $0x180, s9;
	[tilespmem:s14+$0x0] =	vst.add.f32.msk $0xffff, v11  }
0x54: {  	s30 =	sor.u32 $0x200, s28;
	v7 =	vperm.xlane v7, v10;
	v63 =	vnsel vm0, $0x0, v5;
	[tilespmem:s9+$0x0] =	vst.add.f32.msk $0xffff, v62  }
0x55: {  	s31 =	sor.u32 $0x280, s28;
	v8 =	vperm.xlane v8, v10;
	v10 =	vnsel vm0, $0x0, v6;
	[tilespmem:s30+$0x5000] =	vst.add.f32.msk $0xffff, v63  }
0x56: {  	s6 =	sor.u32 $0x300, s28;
	[tilespmem:s31+$0x5000] =	vst.add.f32.msk $0xffff, v10;
	v10 =	vnsel vm0, $0x0, v7  }
0x57: {  	s10 =	sor.u32 $0x380, s28;
	[tilespmem:s6+$0x5000] =	vst.add.f32.msk $0xffff, v10;
	v10 =	vnsel vm0, $0x0, v8;
	vm0 =	vgt.s32 v12, v1  }
0x58: {  	s13 =	sor.u32 s12, s7;
	[tilespmem:s10+$0x5000] =	vst.add.f32.msk $0xffff, v10;
	v10 =	vnsel vm0, $0x0, v0  }
0x59: {  	s15 =	sor.u32 $0x100, s11;
	[tilespmem:s13+$0x0] =	vst.add.f32.msk $0xffff, v10;
	v10 =	vnsel vm1, $0x0, v3  }
0x5a: {  	s16 =	sadd.s32 $0x10, s4;
	s11 =	sor.u32 $0x180, s11;
	v11 =	vnsel vm1, $0x0, v4;
	[tilespmem:s15+$0x0] =	vst.add.f32.msk $0xffff, v10  }
0x5b: {  	s17 =	sor.u32 $0x200, s16;
	v10 =	vnsel vm1, $0x0, v5;
	[tilespmem:s11+$0x0] =	vst.add.f32.msk $0xffff, v11  }
0x5c: {  	s20 =	sor.u32 $0x280, s16;
	v11 =	vnsel vm1, $0x0, v6;
	[tilespmem:s17+$0x5000] =	vst.add.f32.msk $0xffff, v10  }
0x5d: {  	s21 =	sor.u32 $0x300, s16;
	v10 =	vnsel vm1, $0x0, v7;
	[tilespmem:s20+$0x5000] =	vst.add.f32.msk $0xffff, v11  }
0x5e: {  	s22 =	sor.u32 $0x380, s16;
	v11 =	vnsel vm1, $0x0, v8;
	[tilespmem:s21+$0x5000] =	vst.add.f32.msk $0xffff, v10  }
0x5f: {  	s23 =	sor.u32 $0x80, s13;
	v10 =	vnsel vm0, $0x0, v2;
	[tilespmem:s22+$0x5000] =	vst.add.f32.msk $0xffff, v11  }
0x60: {  	s24 =	sor.u32 $0x100, s13;
	v11 =	vnsel vm0, $0x0, v3;
	[tilespmem:s23+$0x0] =	vst.add.f32.msk $0xffff, v10  }
0x61: {  	s25 =	sadd.s32 $0x20, s4;
	s9 =	sor.u32 $0x180, s13;
	v10 =	vnsel vm0, $0x0, v4;
	[tilespmem:s24+$0x0] =	vst.add.f32.msk $0xffff, v11  }
0x62: {  	s26 =	sor.u32 $0x200, s25;
	v11 =	vnsel vm0, $0x0, v5;
	[tilespmem:s9+$0x0] =	vst.add.f32.msk $0xffff, v10  }
0x63: {  	s28 =	sor.u32 $0x280, s25;
	v10 =	vnsel vm0, $0x0, v6;
	[tilespmem:s26+$0x5000] =	vst.add.f32.msk $0xffff, v11  }
0x64: {  	s30 =	sor.u32 $0x300, s25;
	v11 =	vnsel vm0, $0x0, v7;
	[tilespmem:s28+$0x5000] =	vst.add.f32.msk $0xffff, v10  }
0x65: {  	s1 =	sor.u32 s1, s7;
	s31 =	sor.u32 $0x380, s25;
	v10 =	vnsel vm0, $0x0, v8;
	vm0 =	vgt.s32 v9, v1;
	[tilespmem:s30+$0x5000] =	vst.add.f32.msk $0xffff, v11  }
0x66: {  	s29 =	simm.s32 $0x40;
	s7 =	sor.u32 $0x280, s4;
	s16 =	sor.u32 $0x80, s1;
	v9 =	vnsel vm0, $0x0, v0;
	[tilespmem:s31+$0x5000] =	vst.add.f32.msk $0xffff, v10  }
0x67: {  	s12 =	sor.u32 $0x100, s1;
	s14 =	sor.u32 $0x180, s1;
	s11 =	sor.u32 $0x300, s4;
	[tilespmem:s1+$0x0] =	vst.add.f32.msk $0xffff, v9;
	v9 =	vnsel vm0, $0x0, v2  }
0x68: {  	s17 =	simm.s32 $0x0;
	s9 =	sor.u32 $0x200, s4;
	s4 =	sor.u32 $0x380, s4;
	[tilespmem:s16+$0x0] =	vst.add.f32.msk $0xffff, v9;
	v9 =	vnsel vm0, $0x0, v3  }
.LBB2_3:
0x69: {  	s1 =	sand.u32 $0x40, s29;
	s16 =	sand.u32 $0xF80, s29;
	[tilespmem:s12+$0x0] =	vst.add.f32.msk $0xffff, v9;
	v9 =	vnsel vm0, $0x0, v4  }
0x6a: {  	s12 =	sor.u32 $0x10, s1;
	s16 =	sor.u32 $0x4000, s16;
	s20 =	sor.u32 $0x30, s1;
	[tilespmem:s14+$0x0] =	vst.add.f32.msk $0xffff, v9;
	v9 =	vnsel vm0, $0x0, v5  }
0x6b: {  	s21 =	sor.u32 $0x20, s1;
	s14 =	sor.u32 s12, s16;
	s23 =	sor.u32 s20, s16;
	[tilespmem:s9+$0x5000] =	vst.add.f32.msk $0xffff, v9  }
0x6c: {  	s9 =	sor.u32 s21, s16;
	v9 =	vld [tilespmem:s23+$0x0]  }
0x6d: {  	v10 =	vld [tilespmem:s14+$0x0]  }
0x6e: {  	v12 =	vnsel vm0, $0x0, v6;
	v11 =	vld [tilespmem:s9+$0x0]  }
0x6f: {  	s19 =	sadd.s32 $0x200, s19;
	s17 =	sadd.s32 $0x4, s17;
	[tilespmem:s7+$0x5000] =	vst.add.f32.msk $0xffff, v12;
	v12 =	vnsel vm0, $0x0, v7  }
0x70: {  	s8 =	sadd.s32 $0x40, s8;
	p2 =	por !p2, !p2;
	s7 =	sand.u32 $0x7C00, s19;
	[tilespmem:s11+$0x5000] =	vst.add.f32.msk $0xffff, v12;
	v12 =	vnsel vm0, $0x0, v8  }
0x71: {  	p3 =	slt.u32 s17, $0xFC;
	s7 =	sadd.s32 $0x5000, s7;
	vm0 =	vgt.s32 v9, v1;
	[tilespmem:s4+$0x5000] =	vst.add.f32.msk $0xffff, v12;
	s4 =	simm.s32 $0x1  }
0x72: {  	s1 =	sor.u32 s1, s7;
	s9 =	sor.u32 s20, s7;
	s4 =	simm.s32 @!p2 $0x0;
	v9 =	vld [tilespmem:s8+$0x0];
	vm2 =	vgt.s32 v10, v1;
	v10 =	vnsel vm0, $0x0, v0  }
0x73: {  	s16 =	sor.u32 s12, s7;
	s11 =	sor.u32 $0x80, s9;
	s4 =	sshll.u32 s4, $0x6;
	v12 =	vnsel vm2, $0x0, v0;
	vm1 =	vgt.s32 v11, v1;
	[tilespmem:s9+$0x0] =	vst.add.f32.msk $0xffff, v10;
	v10 =	vnsel vm0, $0x0, v2  }
0x74: {  	s20 =	sor.u32 s21, s7;
	s7 =	sor.u32 $0x100, s9;
	v11 =	vnsel vm2, $0x0, v2;
	v13 =	vnsel vm2, $0x0, v3;
	s4 =	sadd.s32 s4, s19;
	[tilespmem:s11+$0x0] =	vst.add.f32.msk $0xffff, v10;
	v10 =	vnsel vm0, $0x0, v3  }
0x75: {  	v14 =	vnsel vm2, $0x0, v4;
	v15 =	vnsel vm2, $0x0, v5;
	s11 =	sadd.s32 $0x10, s4;
	[tilespmem:s7+$0x0] =	vst.add.f32.msk $0xffff, v10;
	v10 =	vnsel vm0, $0x0, v4;
	s7 =	sor.u32 $0x180, s9;
	s9 =	sadd.s32 $0x30, s4  }
0x76: {  	v16 =	vnsel vm2, $0x0, v6;
	v17 =	vnsel vm2, $0x0, v7;
	s14 =	sadd.s32 $0x20, s4;
	s21 =	sor.u32 $0x200, s11;
	[tilespmem:s7+$0x0] =	vst.add.f32.msk $0xffff, v10;
	v10 =	vnsel vm0, $0x0, v5;
	s7 =	sor.u32 $0x200, s9  }
0x77: {  	v18 =	vnsel vm2, $0x0, v8;
	v19 =	vnsel vm1, $0x0, v0;
	s23 =	sor.u32 $0x280, s11;
	s24 =	sor.u32 $0x300, s11;
	[tilespmem:s7+$0x5000] =	vst.add.f32.msk $0xffff, v10;
	v10 =	vnsel vm0, $0x0, v6;
	s7 =	sor.u32 $0x280, s9  }
0x78: {  	v20 =	vnsel vm1, $0x0, v2;
	v21 =	vnsel vm1, $0x0, v3;
	s26 =	sor.u32 $0x380, s11;
	s31 =	sor.u32 $0x200, s14;
	[tilespmem:s7+$0x5000] =	vst.add.f32.msk $0xffff, v10;
	v10 =	vnsel vm0, $0x0, v7;
	s7 =	sor.u32 $0x300, s9  }
0x79: {  	v22 =	vnsel vm1, $0x0, v4;
	v23 =	vnsel vm1, $0x0, v5;
	s30 =	sor.u32 $0x280, s14;
	s22 =	sor.u32 $0x300, s14;
	[tilespmem:s7+$0x5000] =	vst.add.f32.msk $0xffff, v10;
	v10 =	vnsel vm0, $0x0, v8;
	s7 =	sor.u32 $0x380, s9  }
0x7a: {  	s25 =	sor.u32 $0x80, s1;
	s12 =	sor.u32 $0x100, s1;
	v24 =	vnsel vm1, $0x0, v6;
	v25 =	vnsel vm1, $0x0, v7;
	v26 =	vnsel vm1, $0x0, v8;
	s28 =	sor.u32 $0x380, s14;
	[tilespmem:s7+$0x5000] =	vst.add.f32.msk $0xffff, v10  }
0x7b: {  	s14 =	sor.u32 $0x180, s1;
	s9 =	sor.u32 $0x200, s4;
	s7 =	sor.u32 $0x280, s4;
	[tilespmem:s16+$0x0] =	vst.add.f32.msk $0xffff, v12  }
0x7c: {  	s10 =	sor.u32 $0x80, s16;
	s11 =	sor.u32 $0x300, s4;
	s4 =	sor.u32 $0x380, s4;
	[tilespmem:s20+$0x0] =	vst.add.f32.msk $0xffff, v19  }
0x7d: {  	s15 =	sor.u32 $0x80, s20;
	[tilespmem:s10+$0x0] =	vst.add.f32.msk $0xffff, v11;
	s10 =	sor.u32 $0x100, s16;
	s16 =	sor.u32 $0x180, s16  }
0x7e: {  	[tilespmem:s10+$0x0] =	vst.add.f32.msk $0xffff, v13;
	s10 =	sor.u32 $0x100, s20;
	s20 =	sor.u32 $0x180, s20  }
0x7f: {  	[tilespmem:s16+$0x0] =	vst.add.f32.msk $0xffff, v14  }
0x80: {  	[tilespmem:s21+$0x5000] =	vst.add.f32.msk $0xffff, v15  }
0x81: {  	[tilespmem:s23+$0x5000] =	vst.add.f32.msk $0xffff, v16  }
0x82: {  	[tilespmem:s24+$0x5000] =	vst.add.f32.msk $0xffff, v17  }
0x83: {  	[tilespmem:s26+$0x5000] =	vst.add.f32.msk $0xffff, v18  }
0x84: {  	[tilespmem:s15+$0x0] =	vst.add.f32.msk $0xffff, v20  }
0x85: {  	[tilespmem:s10+$0x0] =	vst.add.f32.msk $0xffff, v21  }
0x86: {  	[tilespmem:s20+$0x0] =	vst.add.f32.msk $0xffff, v22  }
0x87: {  	[tilespmem:s31+$0x5000] =	vst.add.f32.msk $0xffff, v23  }
.Ltmp2:
0x88: {  	[tilespmem:s30+$0x5000] =	vst.add.f32.msk $0xffff, v24;
	(pc) =	sbr.rel @p3 .LBB2_3-.Ltmp2, $4  }
0x89: {  	vm0 =	vgt.s32 v9, v1;
	[tilespmem:s22+$0x5000] =	vst.add.f32.msk $0xffff, v25  }
0x8a: {  	v9 =	vnsel vm0, $0x0, v0;
	[tilespmem:s28+$0x5000] =	vst.add.f32.msk $0xffff, v26  }
0x8b: {  	[tilespmem:s1+$0x0] =	vst.add.f32.msk $0xffff, v9;
	v9 =	vnsel vm0, $0x0, v2  }
0x8c: {  	s29 =	sadd.s32 $0x40, s29;
	[tilespmem:s25+$0x0] =	vst.add.f32.msk $0xffff, v9;
	v9 =	vnsel vm0, $0x0, v3  }
0x8d: {  	[tilespmem:s12+$0x0] =	vst.add.f32.msk $0xffff, v9;
	v0 =	vnsel vm0, $0x0, v4  }
0x8e: {  	v60 =	vnsel vm0, $0x0, v5;
	[tilespmem:s14+$0x0] =	vst.add.f32.msk $0xffff, v0  }
0x8f: {  	v61 =	vnsel vm0, $0x0, v6;
	[tilespmem:s9+$0x5000] =	vst.add.f32.msk $0xffff, v60  }
0x90: {  	[tilespmem:s7+$0x5000] =	vst.add.f32.msk $0xffff, v61  }
.Ltmp3:
0x91: {  	s1 =	sshll.u32 s18, $0x12;
	s6 =	rddreg [dreg:$0xc];
	(pc) =	sbr.rel @p1 .LBB2_7-.Ltmp3, $4  }
0x92: {  	v62 =	vnsel vm0, $0x0, v7;
	s1 =	sor.u32 s6, s1  }
0x93: {  	v63 =	vnsel vm0, $0x0, v8;
	s29 =	rddreg [dreg:$0x3];
	[tilespmem:s11+$0x5000] =	vst.add.f32.msk $0xffff, v62;
	s1 =	sshrl.u32 s1, $0x3  }
0x94: {  	s30 =	simm.s32 $0x0;
	s31 =	simm.s32 $0x5000;
	[tilespmem:s4+$0x5000] =	vst.add.f32.msk $0xffff, v63;
	s1 =	sadd.s32 s29, s1  }
0x95: {  	[hbm4b:s1+s30] =	stream.linear.scatter [tilespmem:s31], [sflag:$0x4], $0x8000, $0x38;
	[tilespmem:$0x1D000] =	vst v63  }
0x96: {  	p1 =	seq.s32 s0, $0x10  }
.Ltmp4:
0x97: {  	_ = 	snop;
	(pc) =	sbr.rel @p1 .LBB2_8-.Ltmp4, $1  }
0x98: {  	_ =	sdelay $0x3  }
0x99: {  	s1 =	simm.s32 $0x6  }
0x9a: {  	_ =	swait.ge [sflag:s1], $0x8000  }
0x9b: {  	[sflag:s1] =	ssyncset.done $0x0  }
0x9c: {  	[sflag:s1] =	ssyncadd.s32 $0xFFFF8000  }
.LBB2_7:
0x9d: {  	s1 =	rddreg [dreg:$0x8]  }
0x9e: {  	s1 =	sadd.s32 s1, s5  }
0x9f: {  	s1 =	sshll.u32 s1, $0xC  }
0xa0: {  	s4 =	rddreg [dreg:$0xd];
	s1 =	sand.u32 $0x1FF8000, s1  }
0xa1: {  	s31 =	simm.s32 $0x0;
	s6 =	simm.s32 $0x15000;
	s1 =	sadd.s32 s1, s4  }
0xa2: {  	[tilespmem:s6], [sflag:$0x3] =	stream.linear.gather [hbm4b:s1+s31], $0x8000, $0x38;
	[tilespmem:$0x1D000] =	vst v63  }
.LBB2_8:
0xa3: {  	s1 =	sadd.s32 $0x1, s3  }
0xa4: {  	s4 =	sshll.u32 s1, $0x3  }
0xa5: {  	s6 =	rddreg [dreg:$0xb];
	s4 =	sand.u32 $0x7FFFFC00, s4  }
0xa6: {  	s7 =	sand.u32 $0x70, s1;
	s4 =	sadd.s32 s4, s6  }
0xa7: {  	s4 =	sadd.s32 s7, s4  }
0xa8: {  	v0 =	vld [tilespmem:s4+$0x0]  }
0xa9: {  	v2 =	vld [tilespmem:s4+$0x80]  }
0xaa: {  	v3 =	vld [tilespmem:s4+$0x100]  }
0xab: {  	v4 =	vld [tilespmem:s4+$0x180]  }
0xac: {  	v5 =	vld [tilespmem:s4+$0x200]  }
0xad: {  	v6 =	vld [tilespmem:s4+$0x280]  }
0xae: {  	s18 =	simm.s32 $0x0;
	s14 =	simm.s32 $0x2;
	v7 =	vld [tilespmem:s4+$0x300]  }
0xaf: {  	s8 =	sand.u32 $0x40, s18;
	s15 =	sand.u32 $0xF80, s18;
	v8 =	vld [tilespmem:s4+$0x380];
	_ =	swait.ge [sflag:s14], $0x8000  }
0xb0: {  	s10 =	sor.u32 $0x30, s8;
	s4 =	sor.u32 $0x4000, s15;
	[sflag:s14] =	ssyncset.done $0x0  }
0xb1: {  	s16 =	sor.u32 s10, s4;
	[sflag:s14] =	ssyncadd.s32 $0xFFFF8000  }
0xb2: {  	v9 =	vld [tilespmem:s16+$0x0]  }
0xb3: {  	s16 =	sor.u32 $0x10, s8  }
0xb4: {  	s1 =	sand.u32 $0xF, s1;
	s17 =	sor.u32 s16, s4  }
0xb5: {  	v10 =	vmov s1;
	v11 =	vld [tilespmem:s17+$0x0]  }
0xb6: {  	v1 =	vmov s3;
	s1 =	sor.u32 $0x20, s8;
	s15 =	sand.u32 $0x7C00, s18;
	v0 =	vperm.xlane v0, v10  }
0xb7: {  	s7 =	sadd.s32 $0xD000, s15;
	s4 =	sor.u32 s1, s4;
	v2 =	vperm.xlane v2, v10;
	vm0 =	vgt.s32 v9, v1  }
0xb8: {  	s19 =	sor.u32 s10, s7;
	v3 =	vperm.xlane v3, v10;
	v9 =	vld [tilespmem:s4+$0x0];
	s4 =	sadd.s32 $0xD080, s15;
	v12 =	vnsel vm0, $0x0, v0  }
0xb9: {  	s9 =	sadd.s32 $0xD100, s15;
	v60 =	vnsel vm0, $0x0, v2;
	s20 =	sor.u32 s10, s4;
	[tilespmem:s19+$0x0] =	vst.add.f32.msk $0xffff, v12  }
0xba: {  	s21 =	sor.u32 s10, s9;
	v4 =	vperm.xlane v4, v10;
	v61 =	vnsel vm0, $0x0, v3;
	vm1 =	vgt.s32 v11, v1;
	[tilespmem:s20+$0x0] =	vst.add.f32.msk $0xffff, v60  }
0xbb: {  	s11 =	sadd.s32 $0xD180, s15;
	s28 =	sor.u32 s16, s7;
	v5 =	vperm.xlane v5, v10;
	v11 =	vnsel vm1, $0x0, v0;
	[tilespmem:s21+$0x0] =	vst.add.f32.msk $0xffff, v61  }
0xbc: {  	s12 =	sadd.s32 $0xD200, s15;
	s22 =	sor.u32 s10, s11;
	v6 =	vperm.xlane v6, v10;
	v62 =	vnsel vm0, $0x0, v4;
	[tilespmem:s28+$0x0] =	vst.add.f32.msk $0xffff, v11  }
0xbd: {  	s14 =	sadd.s32 $0xD280, s15;
	s23 =	sor.u32 s10, s12;
	v7 =	vperm.xlane v7, v10;
	v63 =	vnsel vm0, $0x0, v5;
	[tilespmem:s22+$0x0] =	vst.add.f32.msk $0xffff, v62  }
0xbe: {  	s24 =	sor.u32 s10, s14;
	v8 =	vperm.xlane v8, v10;
	s17 =	sadd.s32 $0xD300, s15;
	v10 =	vnsel vm0, $0x0, v6;
	[tilespmem:s23+$0x0] =	vst.add.f32.msk $0xffff, v63  }
0xbf: {  	s25 =	sor.u32 s10, s17;
	s21 =	sadd.s32 $0xD380, s15;
	[tilespmem:s24+$0x0] =	vst.add.f32.msk $0xffff, v10;
	v10 =	vnsel vm0, $0x0, v7  }
0xc0: {  	s26 =	sor.u32 s10, s21;
	[tilespmem:s25+$0x0] =	vst.add.f32.msk $0xffff, v10;
	v10 =	vnsel vm0, $0x0, v8  }
0xc1: {  	s30 =	sor.u32 s16, s4;
	[tilespmem:s26+$0x0] =	vst.add.f32.msk $0xffff, v10;
	v10 =	vnsel vm1, $0x0, v2  }
0xc2: {  	s6 =	sor.u32 s16, s9;
	v11 =	vnsel vm1, $0x0, v3;
	[tilespmem:s30+$0x0] =	vst.add.f32.msk $0xffff, v10  }
0xc3: {  	s10 =	sor.u32 s16, s11;
	v10 =	vnsel vm1, $0x0, v4;
	[tilespmem:s6+$0x0] =	vst.add.f32.msk $0xffff, v11  }
0xc4: {  	s13 =	sor.u32 s16, s12;
	v11 =	vnsel vm1, $0x0, v5;
	[tilespmem:s10+$0x0] =	vst.add.f32.msk $0xffff, v10  }
0xc5: {  	s15 =	sor.u32 s16, s14;
	v10 =	vnsel vm1, $0x0, v6;
	[tilespmem:s13+$0x0] =	vst.add.f32.msk $0xffff, v11  }
0xc6: {  	s3 =	simm.s32 $0x4000;
	[tilespmem:s15+$0x0] =	vst.add.f32.msk $0xffff, v10  }
0xc7: {  	s19 =	sor.u32 s16, s17;
	v11 =	vnsel vm1, $0x0, v7;
	v10 =	vld [tilespmem:s3+$0x0]  }
0xc8: {  	s20 =	sor.u32 s16, s21;
	vm0 =	vgt.s32 v9, v1;
	v9 =	vnsel vm1, $0x0, v8;
	[tilespmem:s19+$0x0] =	vst.add.f32.msk $0xffff, v11  }
0xc9: {  	s22 =	sor.u32 s1, s7;
	v11 =	vnsel vm0, $0x0, v0;
	[tilespmem:s20+$0x0] =	vst.add.f32.msk $0xffff, v9  }
0xca: {  	s23 =	sor.u32 s1, s4;
	v9 =	vnsel vm0, $0x0, v2;
	[tilespmem:s22+$0x0] =	vst.add.f32.msk $0xffff, v11  }
0xcb: {  	s24 =	sor.u32 s1, s9;
	v11 =	vnsel vm0, $0x0, v3;
	[tilespmem:s23+$0x0] =	vst.add.f32.msk $0xffff, v9  }
0xcc: {  	s25 =	sor.u32 s1, s11;
	v9 =	vnsel vm0, $0x0, v4;
	[tilespmem:s24+$0x0] =	vst.add.f32.msk $0xffff, v11  }
0xcd: {  	s26 =	sor.u32 s1, s12;
	v11 =	vnsel vm0, $0x0, v5;
	[tilespmem:s25+$0x0] =	vst.add.f32.msk $0xffff, v9  }
0xce: {  	s28 =	sor.u32 s1, s14;
	v9 =	vnsel vm0, $0x0, v6;
	[tilespmem:s26+$0x0] =	vst.add.f32.msk $0xffff, v11  }
0xcf: {  	s30 =	sor.u32 s1, s17;
	v11 =	vnsel vm0, $0x0, v7;
	[tilespmem:s28+$0x0] =	vst.add.f32.msk $0xffff, v9  }
0xd0: {  	s29 =	sor.u32 s8, s11;
	s1 =	sor.u32 s1, s21;
	v9 =	vnsel vm0, $0x0, v8;
	vm0 =	vgt.s32 v10, v1;
	[tilespmem:s30+$0x0] =	vst.add.f32.msk $0xffff, v11  }
0xd1: {  	s31 =	sor.u32 s8, s17;
	s7 =	sor.u32 s8, s7;
	s4 =	sor.u32 s8, s4;
	[tilespmem:s1+$0x0] =	vst.add.f32.msk $0xffff, v9;
	v9 =	vnsel vm0, $0x0, v0  }
0xd2: {  	s17 =	simm.s32 $0x40;
	s19 =	sor.u32 s8, s9;
	s20 =	sor.u32 s8, s14;
	[tilespmem:s7+$0x0] =	vst.add.f32.msk $0xffff, v9;
	v9 =	vnsel vm0, $0x0, v2  }
0xd3: {  	s26 =	sor.u32 s8, s21;
	s1 =	sor.u32 s8, s12;
	s8 =	simm.s32 $0x0;
	[tilespmem:s4+$0x0] =	vst.add.f32.msk $0xffff, v9;
	v9 =	vnsel vm0, $0x0, v3  }
.LBB2_9:
0xd4: {  	s7 =	sand.u32 $0x40, s17;
	s9 =	sand.u32 $0xF80, s17;
	[tilespmem:s19+$0x0] =	vst.add.f32.msk $0xffff, v9;
	v9 =	vnsel vm0, $0x0, v4  }
0xd5: {  	s4 =	sor.u32 $0x10, s7;
	s10 =	sor.u32 $0x4000, s9;
	s9 =	sor.u32 $0x30, s7;
	[tilespmem:s29+$0x0] =	vst.add.f32.msk $0xffff, v9;
	v9 =	vnsel vm0, $0x0, v5  }
0xd6: {  	s11 =	sor.u32 $0x20, s7;
	s12 =	sor.u32 s4, s10;
	s14 =	sor.u32 s9, s10;
	[tilespmem:s1+$0x0] =	vst.add.f32.msk $0xffff, v9  }
0xd7: {  	s1 =	sor.u32 s11, s10;
	v9 =	vld [tilespmem:s14+$0x0]  }
0xd8: {  	v10 =	vld [tilespmem:s12+$0x0]  }
0xd9: {  	v12 =	vnsel vm0, $0x0, v6;
	v11 =	vld [tilespmem:s1+$0x0]  }
0xda: {  	s18 =	sadd.s32 $0x200, s18;
	[tilespmem:s20+$0x0] =	vst.add.f32.msk $0xffff, v12;
	v12 =	vnsel vm0, $0x0, v7  }
0xdb: {  	s8 =	sadd.s32 $0x4, s8;
	s10 =	sand.u32 $0x7C00, s18;
	[tilespmem:s31+$0x0] =	vst.add.f32.msk $0xffff, v12;
	v12 =	vnsel vm0, $0x0, v8  }
0xdc: {  	s3 =	sadd.s32 $0x40, s3;
	p1 =	slt.u32 s8, $0xFC;
	s12 =	sadd.s32 $0xD000, s10;
	vm0 =	vgt.s32 v9, v1;
	[tilespmem:s26+$0x0] =	vst.add.f32.msk $0xffff, v12  }
0xdd: {  	s14 =	sadd.s32 $0xD080, s10;
	s24 =	sor.u32 s7, s12;
	s1 =	sor.u32 s9, s12;
	v9 =	vld [tilespmem:s3+$0x0];
	vm2 =	vgt.s32 v10, v1;
	v10 =	vnsel vm0, $0x0, v0  }
0xde: {  	s21 =	sadd.s32 $0xD100, s10;
	s16 =	sor.u32 s7, s14;
	v12 =	vnsel vm2, $0x0, v0;
	vm1 =	vgt.s32 v11, v1;
	[tilespmem:s1+$0x0] =	vst.add.f32.msk $0xffff, v10;
	v10 =	vnsel vm0, $0x0, v2;
	s1 =	sor.u32 s9, s14  }
0xdf: {  	s23 =	sadd.s32 $0xD180, s10;
	s19 =	sor.u32 s7, s21;
	v11 =	vnsel vm2, $0x0, v2;
	v13 =	vnsel vm2, $0x0, v3;
	[tilespmem:s1+$0x0] =	vst.add.f32.msk $0xffff, v10;
	v10 =	vnsel vm0, $0x0, v3;
	s1 =	sor.u32 s9, s21  }
0xe0: {  	s15 =	sadd.s32 $0xD200, s10;
	s29 =	sor.u32 s7, s23;
	s20 =	sor.u32 s9, s23;
	v14 =	vnsel vm2, $0x0, v4;
	v15 =	vnsel vm2, $0x0, v5;
	[tilespmem:s1+$0x0] =	vst.add.f32.msk $0xffff, v10;
	v10 =	vnsel vm0, $0x0, v4  }
0xe1: {  	s22 =	sadd.s32 $0xD280, s10;
	s25 =	sor.u32 s9, s15;
	v16 =	vnsel vm2, $0x0, v6;
	v17 =	vnsel vm2, $0x0, v7;
	s1 =	sor.u32 s7, s15;
	[tilespmem:s20+$0x0] =	vst.add.f32.msk $0xffff, v10;
	v10 =	vnsel vm0, $0x0, v5  }
0xe2: {  	s28 =	sadd.s32 $0xD300, s10;
	v18 =	vnsel vm2, $0x0, v8;
	v19 =	vnsel vm1, $0x0, v0;
	s20 =	sor.u32 s7, s22;
	[tilespmem:s25+$0x0] =	vst.add.f32.msk $0xffff, v10;
	v10 =	vnsel vm0, $0x0, v6;
	s25 =	sor.u32 s9, s22  }
0xe3: {  	s10 =	sadd.s32 $0xD380, s10;
	s31 =	sor.u32 s7, s28;
	v20 =	vnsel vm1, $0x0, v2;
	v21 =	vnsel vm1, $0x0, v3;
	[tilespmem:s25+$0x0] =	vst.add.f32.msk $0xffff, v10;
	v10 =	vnsel vm0, $0x0, v7;
	s25 =	sor.u32 s9, s28  }
0xe4: {  	s26 =	sor.u32 s7, s10;
	v22 =	vnsel vm1, $0x0, v4;
	v23 =	vnsel vm1, $0x0, v5;
	s7 =	sor.u32 s4, s12;
	s9 =	sor.u32 s9, s10;
	[tilespmem:s25+$0x0] =	vst.add.f32.msk $0xffff, v10;
	v10 =	vnsel vm0, $0x0, v8  }
0xe5: {  	s30 =	sor.u32 s4, s21;
	s6 =	sor.u32 s4, s23;
	v24 =	vnsel vm1, $0x0, v6;
	v25 =	vnsel vm1, $0x0, v7;
	v26 =	vnsel vm1, $0x0, v8;
	s25 =	sor.u32 s4, s14;
	[tilespmem:s9+$0x0] =	vst.add.f32.msk $0xffff, v10  }
0xe6: {  	s13 =	sor.u32 s4, s28;
	s9 =	sor.u32 s4, s22;
	[tilespmem:s7+$0x0] =	vst.add.f32.msk $0xffff, v12;
	s7 =	sor.u32 s4, s15  }
0xe7: {  	s12 =	sor.u32 s11, s12;
	s14 =	sor.u32 s11, s14;
	s4 =	sor.u32 s4, s10;
	[tilespmem:s25+$0x0] =	vst.add.f32.msk $0xffff, v11  }
0xe8: {  	s23 =	sor.u32 s11, s23;
	s21 =	sor.u32 s11, s21;
	s15 =	sor.u32 s11, s15;
	[tilespmem:s30+$0x0] =	vst.add.f32.msk $0xffff, v13  }
0xe9: {  	s10 =	sor.u32 s11, s10;
	[tilespmem:s6+$0x0] =	vst.add.f32.msk $0xffff, v14;
	s6 =	sor.u32 s11, s22;
	s22 =	sor.u32 s11, s28  }
0xea: {  	[tilespmem:s7+$0x0] =	vst.add.f32.msk $0xffff, v15  }
0xeb: {  	[tilespmem:s9+$0x0] =	vst.add.f32.msk $0xffff, v16  }
0xec: {  	[tilespmem:s13+$0x0] =	vst.add.f32.msk $0xffff, v17  }
0xed: {  	[tilespmem:s4+$0x0] =	vst.add.f32.msk $0xffff, v18  }
0xee: {  	[tilespmem:s12+$0x0] =	vst.add.f32.msk $0xffff, v19  }
0xef: {  	[tilespmem:s14+$0x0] =	vst.add.f32.msk $0xffff, v20  }
0xf0: {  	[tilespmem:s21+$0x0] =	vst.add.f32.msk $0xffff, v21  }
0xf1: {  	[tilespmem:s23+$0x0] =	vst.add.f32.msk $0xffff, v22  }
0xf2: {  	[tilespmem:s15+$0x0] =	vst.add.f32.msk $0xffff, v23  }
.Ltmp5:
0xf3: {  	[tilespmem:s6+$0x0] =	vst.add.f32.msk $0xffff, v24;
	(pc) =	sbr.rel @p1 .LBB2_9-.Ltmp5, $4  }
0xf4: {  	vm0 =	vgt.s32 v9, v1;
	[tilespmem:s22+$0x0] =	vst.add.f32.msk $0xffff, v25  }
0xf5: {  	v9 =	vnsel vm0, $0x0, v0;
	[tilespmem:s10+$0x0] =	vst.add.f32.msk $0xffff, v26  }
0xf6: {  	[tilespmem:s24+$0x0] =	vst.add.f32.msk $0xffff, v9;
	v9 =	vnsel vm0, $0x0, v2  }
0xf7: {  	s17 =	sadd.s32 $0x40, s17;
	[tilespmem:s16+$0x0] =	vst.add.f32.msk $0xffff, v9;
	v9 =	vnsel vm0, $0x0, v3  }
0xf8: {  	[tilespmem:s19+$0x0] =	vst.add.f32.msk $0xffff, v9;
	v0 =	vnsel vm0, $0x0, v4  }
0xf9: {  	v60 =	vnsel vm0, $0x0, v5;
	p1 =	seq.s32 s0, $0x10;
	[tilespmem:s29+$0x0] =	vst.add.f32.msk $0xffff, v0  }
.Ltmp6:
0xfa: {  	v61 =	vnsel vm0, $0x0, v6;
	[tilespmem:s1+$0x0] =	vst.add.f32.msk $0xffff, v60;
	(pc) =	sbr.rel @p1 .LBB2_14-.Ltmp6, $4  }
0xfb: {  	v62 =	vnsel vm0, $0x0, v7;
	[tilespmem:s20+$0x0] =	vst.add.f32.msk $0xffff, v61  }
0xfc: {  	v63 =	vnsel vm0, $0x0, v8;
	s29 =	rddreg [dreg:$0x3];
	[tilespmem:s31+$0x0] =	vst.add.f32.msk $0xffff, v62  }
0xfd: {  	s30 =	simm.s32 $0xD000;
	s1 =	sadd.s32 s29, s2;
	s31 =	simm.s32 $0x0;
	[tilespmem:s26+$0x0] =	vst.add.f32.msk $0xffff, v63  }
0xfe: {  	[hbm4b:s1+s31] =	stream.linear.scatter [tilespmem:s30], [sflag:$0x5], $0x8000, $0x38;
	[tilespmem:$0x1D000] =	vst v63  }
0xff: {  	s1 =	rddreg [dreg:$0x9]  }
0x100: {  	s2 =	rddreg [dreg:$0x8]  }
0x101: {  	s3 =	simm.s32 $0x4;
	s4 =	simm.s32 $0x5000;
	s1 =	sadd.s32 s1, s5  }
0x102: {  	s2 =	sadd.s32 s2, s5;
	_ =	swait.ge [sflag:s3], $0x8000;
	s1 =	sshll.u32 s1, $0xC  }
0x103: {  	s2 =	sshrl.u32 s2, $0x3;
	[sflag:s3] =	ssyncset.done $0x0;
	s9 =	rddreg [dreg:$0xd]  }
0x104: {  	s1 =	sand.u32 $0x1FF8000, s1;
	[sflag:s3] =	ssyncadd.s32 $0xFFFF8000;
	s10 =	sadd.s32 $0x1, s2  }
0x105: {  	s3 =	simm.s32 $0x0;
	s1 =	sadd.s32 s1, s9;
	s11 =	sshll.u32 s10, $0x3  }
0x106: {  	[tilespmem:s4], [sflag:$0x1] =	stream.linear.gather [hbm4b:s1+s3], $0x8000, $0x38;
	[tilespmem:$0x1D000] =	vst v63  }
0x107: {  	s6 =	rddreg [dreg:$0xb];
	s4 =	sand.u32 $0x7FFFFC00, s11  }
0x108: {  	s12 =	sand.u32 $0x70, s10;
	s4 =	sadd.s32 s4, s6  }
0x109: {  	s4 =	sadd.s32 s12, s4  }
0x10a: {  	v0 =	vld [tilespmem:s4+$0x0]  }
0x10b: {  	v2 =	vld [tilespmem:s4+$0x80]  }
0x10c: {  	v3 =	vld [tilespmem:s4+$0x100]  }
0x10d: {  	v4 =	vld [tilespmem:s4+$0x180]  }
0x10e: {  	v5 =	vld [tilespmem:s4+$0x200]  }
0x10f: {  	v6 =	vld [tilespmem:s4+$0x280]  }
0x110: {  	s13 =	simm.s32 $0x3;
	v7 =	vld [tilespmem:s4+$0x300]  }
0x111: {  	s8 =	sand.u32 $0x40, s3;
	s14 =	sand.u32 $0xF80, s3;
	v8 =	vld [tilespmem:s4+$0x380];
	_ =	swait.ge [sflag:s13], $0x8000  }
0x112: {  	s15 =	sor.u32 $0x30, s8;
	s4 =	sor.u32 $0x4000, s14;
	[sflag:s13] =	ssyncset.done $0x0  }
0x113: {  	s16 =	sor.u32 s15, s4;
	[sflag:s13] =	ssyncadd.s32 $0xFFFF8000  }
0x114: {  	v9 =	vld [tilespmem:s16+$0x0]  }
0x115: {  	s16 =	sor.u32 $0x10, s8  }
0x116: {  	s1 =	sand.u32 $0xF, s10;
	s17 =	sor.u32 s16, s4  }
0x117: {  	v10 =	vmov s1;
	v11 =	vld [tilespmem:s17+$0x0]  }
0x118: {  	v1 =	vmov s2;
	s10 =	sand.u32 $0x7C00, s3;
	s1 =	sor.u32 $0x20, s8;
	v0 =	vperm.xlane v0, v10  }
0x119: {  	s7 =	sadd.s32 $0x15000, s10;
	s4 =	sor.u32 s1, s4;
	v2 =	vperm.xlane v2, v10;
	vm0 =	vgt.s32 v9, v1  }
0x11a: {  	s18 =	sor.u32 s15, s7;
	v3 =	vperm.xlane v3, v10;
	v9 =	vld [tilespmem:s4+$0x0];
	s4 =	sadd.s32 $0x15080, s10;
	v12 =	vnsel vm0, $0x0, v0  }
0x11b: {  	s9 =	sadd.s32 $0x15100, s10;
	v60 =	vnsel vm0, $0x0, v2;
	s19 =	sor.u32 s15, s4;
	[tilespmem:s18+$0x0] =	vst.add.f32.msk $0xffff, v12  }
0x11c: {  	s20 =	sor.u32 s15, s9;
	v4 =	vperm.xlane v4, v10;
	v61 =	vnsel vm0, $0x0, v3;
	vm1 =	vgt.s32 v11, v1;
	[tilespmem:s19+$0x0] =	vst.add.f32.msk $0xffff, v60  }
0x11d: {  	s11 =	sadd.s32 $0x15180, s10;
	s25 =	sor.u32 s16, s7;
	v5 =	vperm.xlane v5, v10;
	v11 =	vnsel vm1, $0x0, v0;
	[tilespmem:s20+$0x0] =	vst.add.f32.msk $0xffff, v61  }
0x11e: {  	s12 =	sadd.s32 $0x15200, s10;
	s21 =	sor.u32 s15, s11;
	v6 =	vperm.xlane v6, v10;
	v62 =	vnsel vm0, $0x0, v4;
	[tilespmem:s25+$0x0] =	vst.add.f32.msk $0xffff, v11  }
0x11f: {  	s14 =	sadd.s32 $0x15280, s10;
	s22 =	sor.u32 s15, s12;
	v7 =	vperm.xlane v7, v10;
	v63 =	vnsel vm0, $0x0, v5;
	[tilespmem:s21+$0x0] =	vst.add.f32.msk $0xffff, v62  }
0x120: {  	s23 =	sor.u32 s15, s14;
	v8 =	vperm.xlane v8, v10;
	s17 =	sadd.s32 $0x15300, s10;
	v10 =	vnsel vm0, $0x0, v6;
	[tilespmem:s22+$0x0] =	vst.add.f32.msk $0xffff, v63  }
0x121: {  	s24 =	sor.u32 s15, s17;
	s21 =	sadd.s32 $0x15380, s10;
	[tilespmem:s23+$0x0] =	vst.add.f32.msk $0xffff, v10;
	v10 =	vnsel vm0, $0x0, v7  }
0x122: {  	s5 =	sor.u32 s15, s21;
	[tilespmem:s24+$0x0] =	vst.add.f32.msk $0xffff, v10;
	v10 =	vnsel vm0, $0x0, v8  }
0x123: {  	s26 =	sor.u32 s16, s4;
	[tilespmem:s5+$0x0] =	vst.add.f32.msk $0xffff, v10;
	v10 =	vnsel vm1, $0x0, v2  }
0x124: {  	s28 =	sor.u32 s16, s9;
	v11 =	vnsel vm1, $0x0, v3;
	[tilespmem:s26+$0x0] =	vst.add.f32.msk $0xffff, v10  }
0x125: {  	s6 =	sor.u32 s16, s11;
	v10 =	vnsel vm1, $0x0, v4;
	[tilespmem:s28+$0x0] =	vst.add.f32.msk $0xffff, v11  }
0x126: {  	s10 =	sor.u32 s16, s12;
	v11 =	vnsel vm1, $0x0, v5;
	[tilespmem:s6+$0x0] =	vst.add.f32.msk $0xffff, v10  }
0x127: {  	s13 =	sor.u32 s16, s14;
	v10 =	vnsel vm1, $0x0, v6;
	[tilespmem:s10+$0x0] =	vst.add.f32.msk $0xffff, v11  }
0x128: {  	s5 =	simm.s32 $0x4000;
	[tilespmem:s13+$0x0] =	vst.add.f32.msk $0xffff, v10  }
0x129: {  	s15 =	sor.u32 s16, s17;
	v11 =	vnsel vm1, $0x0, v7;
	v10 =	vld [tilespmem:s5+$0x0]  }
0x12a: {  	s18 =	sor.u32 s16, s21;
	vm0 =	vgt.s32 v9, v1;
	v9 =	vnsel vm1, $0x0, v8;
	[tilespmem:s15+$0x0] =	vst.add.f32.msk $0xffff, v11  }
0x12b: {  	s19 =	sor.u32 s1, s7;
	v11 =	vnsel vm0, $0x0, v0;
	[tilespmem:s18+$0x0] =	vst.add.f32.msk $0xffff, v9  }
0x12c: {  	s20 =	sor.u32 s1, s4;
	v9 =	vnsel vm0, $0x0, v2;
	[tilespmem:s19+$0x0] =	vst.add.f32.msk $0xffff, v11  }
0x12d: {  	s22 =	sor.u32 s1, s9;
	v11 =	vnsel vm0, $0x0, v3;
	[tilespmem:s20+$0x0] =	vst.add.f32.msk $0xffff, v9  }
0x12e: {  	s23 =	sor.u32 s1, s11;
	v9 =	vnsel vm0, $0x0, v4;
	[tilespmem:s22+$0x0] =	vst.add.f32.msk $0xffff, v11  }
0x12f: {  	s24 =	sor.u32 s1, s12;
	v11 =	vnsel vm0, $0x0, v5;
	[tilespmem:s23+$0x0] =	vst.add.f32.msk $0xffff, v9  }
0x130: {  	s25 =	sor.u32 s1, s14;
	v9 =	vnsel vm0, $0x0, v6;
	[tilespmem:s24+$0x0] =	vst.add.f32.msk $0xffff, v11  }
0x131: {  	s26 =	sor.u32 s1, s17;
	v11 =	vnsel vm0, $0x0, v7;
	[tilespmem:s25+$0x0] =	vst.add.f32.msk $0xffff, v9  }
0x132: {  	s29 =	sor.u32 s8, s17;
	s1 =	sor.u32 s1, s21;
	v9 =	vnsel vm0, $0x0, v8;
	vm0 =	vgt.s32 v10, v1;
	[tilespmem:s26+$0x0] =	vst.add.f32.msk $0xffff, v11  }
0x133: {  	s4 =	sor.u32 s8, s4;
	s31 =	sor.u32 s8, s21;
	s28 =	sor.u32 s8, s7;
	[tilespmem:s1+$0x0] =	vst.add.f32.msk $0xffff, v9;
	v9 =	vnsel vm0, $0x0, v0  }
0x134: {  	s17 =	simm.s32 $0x40;
	s18 =	sor.u32 s8, s9;
	s19 =	sor.u32 s8, s11;
	[tilespmem:s28+$0x0] =	vst.add.f32.msk $0xffff, v9;
	v9 =	vnsel vm0, $0x0, v2  }
0x135: {  	s20 =	sor.u32 s8, s14;
	s1 =	sor.u32 s8, s12;
	s8 =	simm.s32 $0x0;
	[tilespmem:s4+$0x0] =	vst.add.f32.msk $0xffff, v9;
	v9 =	vnsel vm0, $0x0, v3  }
.LBB2_12:
0x136: {  	s7 =	sand.u32 $0x40, s17;
	s6 =	sand.u32 $0xF80, s17;
	[tilespmem:s18+$0x0] =	vst.add.f32.msk $0xffff, v9;
	v9 =	vnsel vm0, $0x0, v4  }
0x137: {  	s4 =	sor.u32 $0x10, s7;
	s6 =	sor.u32 $0x4000, s6;
	s9 =	sor.u32 $0x30, s7;
	[tilespmem:s19+$0x0] =	vst.add.f32.msk $0xffff, v9;
	v9 =	vnsel vm0, $0x0, v5  }
0x138: {  	s24 =	sor.u32 $0x20, s7;
	s10 =	sor.u32 s4, s6;
	s11 =	sor.u32 s9, s6;
	[tilespmem:s1+$0x0] =	vst.add.f32.msk $0xffff, v9  }
0x139: {  	s1 =	sor.u32 s24, s6;
	v9 =	vld [tilespmem:s11+$0x0]  }
0x13a: {  	v10 =	vld [tilespmem:s10+$0x0]  }
0x13b: {  	v12 =	vnsel vm0, $0x0, v6;
	v11 =	vld [tilespmem:s1+$0x0]  }
0x13c: {  	s3 =	sadd.s32 $0x200, s3;
	[tilespmem:s20+$0x0] =	vst.add.f32.msk $0xffff, v12;
	v12 =	vnsel vm0, $0x0, v7  }
0x13d: {  	s8 =	sadd.s32 $0x4, s8;
	s6 =	sand.u32 $0x7C00, s3;
	[tilespmem:s29+$0x0] =	vst.add.f32.msk $0xffff, v12;
	v12 =	vnsel vm0, $0x0, v8  }
0x13e: {  	s5 =	sadd.s32 $0x40, s5;
	p1 =	slt.u32 s8, $0xFC;
	s12 =	sadd.s32 $0x15000, s6;
	vm0 =	vgt.s32 v9, v1;
	[tilespmem:s31+$0x0] =	vst.add.f32.msk $0xffff, v12  }
0x13f: {  	s14 =	sadd.s32 $0x15080, s6;
	s11 =	sor.u32 s7, s12;
	s1 =	sor.u32 s9, s12;
	v9 =	vld [tilespmem:s5+$0x0];
	vm2 =	vgt.s32 v10, v1;
	v10 =	vnsel vm0, $0x0, v0  }
0x140: {  	s21 =	sadd.s32 $0x15100, s6;
	s16 =	sor.u32 s7, s14;
	v12 =	vnsel vm2, $0x0, v0;
	vm1 =	vgt.s32 v11, v1;
	[tilespmem:s1+$0x0] =	vst.add.f32.msk $0xffff, v10;
	v10 =	vnsel vm0, $0x0, v2;
	s1 =	sor.u32 s9, s14  }
0x141: {  	s23 =	sadd.s32 $0x15180, s6;
	s18 =	sor.u32 s7, s21;
	v11 =	vnsel vm2, $0x0, v2;
	v13 =	vnsel vm2, $0x0, v3;
	[tilespmem:s1+$0x0] =	vst.add.f32.msk $0xffff, v10;
	v10 =	vnsel vm0, $0x0, v3;
	s1 =	sor.u32 s9, s21  }
0x142: {  	s19 =	sor.u32 s7, s23;
	s10 =	sadd.s32 $0x15200, s6;
	s13 =	sor.u32 s9, s23;
	v14 =	vnsel vm2, $0x0, v4;
	v15 =	vnsel vm2, $0x0, v5;
	[tilespmem:s1+$0x0] =	vst.add.f32.msk $0xffff, v10;
	v10 =	vnsel vm0, $0x0, v4  }
0x143: {  	s15 =	sadd.s32 $0x15280, s6;
	v16 =	vnsel vm2, $0x0, v6;
	v17 =	vnsel vm2, $0x0, v7;
	s1 =	sor.u32 s7, s10;
	[tilespmem:s13+$0x0] =	vst.add.f32.msk $0xffff, v10;
	v10 =	vnsel vm0, $0x0, v5;
	s13 =	sor.u32 s9, s10  }
0x144: {  	s22 =	sadd.s32 $0x15300, s6;
	s20 =	sor.u32 s7, s15;
	v18 =	vnsel vm2, $0x0, v8;
	v19 =	vnsel vm1, $0x0, v0;
	[tilespmem:s13+$0x0] =	vst.add.f32.msk $0xffff, v10;
	v10 =	vnsel vm0, $0x0, v6;
	s13 =	sor.u32 s9, s15  }
0x145: {  	s6 =	sadd.s32 $0x15380, s6;
	s29 =	sor.u32 s7, s22;
	v20 =	vnsel vm1, $0x0, v2;
	v21 =	vnsel vm1, $0x0, v3;
	[tilespmem:s13+$0x0] =	vst.add.f32.msk $0xffff, v10;
	v10 =	vnsel vm0, $0x0, v7;
	s13 =	sor.u32 s9, s22  }
0x146: {  	s31 =	sor.u32 s7, s6;
	v22 =	vnsel vm1, $0x0, v4;
	v23 =	vnsel vm1, $0x0, v5;
	s7 =	sor.u32 s4, s12;
	s9 =	sor.u32 s9, s6;
	[tilespmem:s13+$0x0] =	vst.add.f32.msk $0xffff, v10;
	v10 =	vnsel vm0, $0x0, v8  }
0x147: {  	s25 =	sor.u32 s4, s21;
	s26 =	sor.u32 s4, s23;
	v24 =	vnsel vm1, $0x0, v6;
	v25 =	vnsel vm1, $0x0, v7;
	v26 =	vnsel vm1, $0x0, v8;
	s13 =	sor.u32 s4, s14;
	[tilespmem:s9+$0x0] =	vst.add.f32.msk $0xffff, v10  }
0x148: {  	s28 =	sor.u32 s4, s22;
	s9 =	sor.u32 s4, s15;
	[tilespmem:s7+$0x0] =	vst.add.f32.msk $0xffff, v12;
	s7 =	sor.u32 s4, s10  }
0x149: {  	s12 =	sor.u32 s24, s12;
	s4 =	sor.u32 s4, s6;
	[tilespmem:s13+$0x0] =	vst.add.f32.msk $0xffff, v11;
	s13 =	sor.u32 s24, s14  }
0x14a: {  	s10 =	sor.u32 s24, s10;
	s14 =	sor.u32 s24, s21;
	s21 =	sor.u32 s24, s23;
	[tilespmem:s25+$0x0] =	vst.add.f32.msk $0xffff, v13  }
0x14b: {  	s22 =	sor.u32 s24, s22;
	s15 =	sor.u32 s24, s15;
	s6 =	sor.u32 s24, s6;
	[tilespmem:s26+$0x0] =	vst.add.f32.msk $0xffff, v14  }
0x14c: {  	[tilespmem:s7+$0x0] =	vst.add.f32.msk $0xffff, v15  }
0x14d: {  	[tilespmem:s9+$0x0] =	vst.add.f32.msk $0xffff, v16  }
0x14e: {  	[tilespmem:s28+$0x0] =	vst.add.f32.msk $0xffff, v17  }
0x14f: {  	[tilespmem:s4+$0x0] =	vst.add.f32.msk $0xffff, v18  }
0x150: {  	[tilespmem:s12+$0x0] =	vst.add.f32.msk $0xffff, v19  }
0x151: {  	[tilespmem:s13+$0x0] =	vst.add.f32.msk $0xffff, v20  }
0x152: {  	[tilespmem:s14+$0x0] =	vst.add.f32.msk $0xffff, v21  }
0x153: {  	[tilespmem:s21+$0x0] =	vst.add.f32.msk $0xffff, v22  }
0x154: {  	[tilespmem:s10+$0x0] =	vst.add.f32.msk $0xffff, v23  }
.Ltmp7:
0x155: {  	[tilespmem:s15+$0x0] =	vst.add.f32.msk $0xffff, v24;
	(pc) =	sbr.rel @p1 .LBB2_12-.Ltmp7, $4  }
0x156: {  	vm0 =	vgt.s32 v9, v1;
	[tilespmem:s22+$0x0] =	vst.add.f32.msk $0xffff, v25  }
0x157: {  	v9 =	vnsel vm0, $0x0, v0;
	[tilespmem:s6+$0x0] =	vst.add.f32.msk $0xffff, v26  }
0x158: {  	[tilespmem:s11+$0x0] =	vst.add.f32.msk $0xffff, v9;
	v9 =	vnsel vm0, $0x0, v2  }
0x159: {  	s17 =	sadd.s32 $0x40, s17;
	[tilespmem:s16+$0x0] =	vst.add.f32.msk $0xffff, v9;
	v9 =	vnsel vm0, $0x0, v3  }
0x15a: {  	[tilespmem:s18+$0x0] =	vst.add.f32.msk $0xffff, v9;
	v0 =	vnsel vm0, $0x0, v4  }
0x15b: {  	v60 =	vnsel vm0, $0x0, v5;
	[tilespmem:s19+$0x0] =	vst.add.f32.msk $0xffff, v0  }
0x15c: {  	v61 =	vnsel vm0, $0x0, v6;
	[tilespmem:s1+$0x0] =	vst.add.f32.msk $0xffff, v60  }
0x15d: {  	v62 =	vnsel vm0, $0x0, v7;
	[tilespmem:s20+$0x0] =	vst.add.f32.msk $0xffff, v61  }
.Ltmp8:
0x15e: {  	v63 =	vnsel vm0, $0x0, v8;
	[tilespmem:s29+$0x0] =	vst.add.f32.msk $0xffff, v62;
	(pc) =	sbr.rel .LBB2_2-.Ltmp8, $4  }
0x15f: {  	[tilespmem:s31+$0x0] =	vst.add.f32.msk $0xffff, v63  }
0x160: {  	s28 =	sshll.u32 s2, $0xF;
	s3 =	simm.s32 $0x15000;
	s29 =	rddreg [dreg:$0xe]  }
0x161: {  	s0 =	sadd.s32 $0x1, s0;
	s31 =	simm.s32 $0x0;
	s1 =	sadd.s32 s28, s29  }
0x162: {  	[hbm4b:s1+s31] =	stream.linear.scatter [tilespmem:s3], [sflag:$0x6], $0x8000, $0x38;
	[tilespmem:$0x1D000] =	vst v63  }
.LBB2_15:
0x163: {  	_ =	sfence.sel $0x180000  }
0x164: {  	[bflag:$0x0] =	sbarrier.arrive $0xFFFF  }
0x165: {  	_ =	strace $0x90000047  }
0x166: {  	s0 =	stileid.u32;
	[bflag:$0x2] =	sbarrier.arrive $0xFFFF  }
0x167: {  	p0 =	sne.s32 s0, $0x0;
	s0 =	rddreg [dreg:$0x4]  }
0x168: {  	s0 =	sadd.s32 @!p0 $0x100000, s0  }
0x169: {  	[sflag:s0] =	ssyncadd.tile.s32 @!p0 $0x1;
	_ =	shalt  }
.Lfunc_end2:
_tile_overlayer_lowered:
.L_overlay_start_2:
0x16a: {  	(tag) =	ssettag $0x2  }
0x16b: {  	s0 =	rddreg [dreg:$0x0];
	s2 =	stileid.u32  }
0x16c: {  	s1 =	rddreg [dreg:$0x1];
	p0 =	sne.s32 s2, $0x0  }
0x16d: {  	s3 =	rddreg [dreg:$0x2];
	[bflag:$0x3] =	sbarrier.arrive $0xFFFF;
	s2 =	simm.s32 @!p0 $0x1C07  }
0x16e: {  	[timem:s3], [sflag:s2] =	dma.local @!p0 [hbm:s0], s1  }
0x16f: {  	s0 =	simm.s32 @!p0 $0x7  }
0x170: {  	_ =	swait.ge @!p0 [sflag:s0], s1  }
0x171: {  	s1 =	ssub.s32 @!p0 $0x0, s1;
	[sflag:s0] =	ssyncset.done @!p0 $0x0  }
0x172: {  	[sflag:s0] =	ssyncadd.s32 @!p0 s1  }
0x173: {  	[bflag:$0x3] =	sbarrier.arrive $0xFFFF  }
0x174: {  	_ =	shalt  }

</sc_bundles>
